<compile_context>
chip_gen: v7x
topology: tpu7x:2x2x1
jax: 0.10.2.dev20260603
libtpu: 0.0.44.dev20260713+nightly
codegen_flags: <defaults>
</compile_context>

<pallas_src>
import functools

import jax
import jax.numpy as jnp
from jax import lax
from jax.experimental import pallas as pl
from jax.experimental.pallas import tpu as pltpu
from jax.experimental.pallas import tpu_sc as plsc

N = 10000
E = 320000
D = 128
H = 128
G = 64

NC = 2
NS = 16
EPT = E // NS
CH = 80
NCH = EPT // CH
NHALF = 5120
JUNK = NHALF
NACC = NHALF + 64
RPT = NHALF // NS

BR = 1000
GR = N // BR



def _seg_sum_body(x_hbm, src_hbm, dst_hbm, out_hbm,
                  src_v, dst_v, rows_v, rows_w, acc, g0, g1, s0, s1):
    cid = lax.axis_index("c")
    sid = lax.axis_index("s")

    def zrow(r, carry):
        for cc in range(H // 16):
            rows_v[r, pl.ds(cc * 16, 16)] = jnp.zeros((16,), jnp.float32)
        return carry
    lax.fori_loop(0, CH, zrow, 0)
    for k in range(RPT // CH):
        pltpu.sync_copy(rows_v, acc.at[pl.ds(sid * RPT + k * CH, CH)])

    @pl.when(sid == 0)
    def _():
        pltpu.sync_copy(rows_v.at[pl.ds(0, 64)], acc.at[pl.ds(NHALF, 64)])

    pltpu.sync_copy(src_hbm.at[sid], src_v)
    pltpu.sync_copy(dst_hbm.at[sid], dst_v)
    lo = cid * NHALF

    def remap(ci, carry):
        for cc in range(CH // 16):
            v = dst_v[ci, pl.ds(cc * 16, 16)]
            vl = v - lo
            ok = (vl >= 0) & (vl < NHALF)
            dst_v[ci, pl.ds(cc * 16, 16)] = jnp.where(ok, vl, JUNK)
        return carry
    lax.fori_loop(0, NCH, remap, 0)
    plsc.subcore_barrier()

    bufs = (rows_v, rows_w)
    gsems = (g0, g1)
    ssems = (s0, s1)

    def gstart(ci, b):
        pltpu.async_copy(x_hbm.at[src_v.at[ci]], bufs[b], gsems[b])

    def gdrain(b):
        pltpu.make_async_copy(x_hbm.at[pl.ds(0, CH)], bufs[b],
                              gsems[b]).wait()

    def sstart(ci, b):
        pltpu.async_copy(bufs[b], acc.at[dst_v.at[ci]], ssems[b], add=True)

    def sdrain(b):
        pltpu.make_async_copy(x_hbm.at[pl.ds(0, CH)], bufs[b],
                              ssems[b]).wait()

    gstart(0, 0)
    gstart(1, 1)

    def pair(pi, carry):
        c = pi * 2
        gdrain(0)
        sstart(c, 0)

        @pl.when(c + 2 < NCH)
        def _():
            sdrain(0)
            gstart(c + 2, 0)
        gdrain(1)
        sstart(c + 1, 1)

        @pl.when(c + 3 < NCH)
        def _():
            sdrain(1)
            gstart(c + 3, 1)
        return carry
    lax.fori_loop(0, NCH // 2, pair, 0)
    sdrain(0)
    sdrain(1)

    plsc.subcore_barrier()
    pltpu.sync_copy(acc.at[pl.ds(sid * RPT, RPT)],
                    out_hbm.at[cid, pl.ds(sid * RPT, RPT)])


@functools.cache
def _seg_sum_kernel():
    return pl.kernel(
        _seg_sum_body,
        mesh=plsc.VectorSubcoreMesh(core_axis_name="c", subcore_axis_name="s"),
        out_type=jax.ShapeDtypeStruct((NC, NHALF, H), jnp.float32),
        scratch_types=[
            pltpu.VMEM((NCH, CH), jnp.int32),
            pltpu.VMEM((NCH, CH), jnp.int32),
            pltpu.VMEM((CH, H), jnp.float32),
            pltpu.VMEM((CH, H), jnp.float32),
            pltpu.VMEM_SHARED((NACC, H), jnp.float32),
            pltpu.SemaphoreType.DMA,
            pltpu.SemaphoreType.DMA,
            pltpu.SemaphoreType.DMA,
            pltpu.SemaphoreType.DMA,
        ],
    )



def _layer_body(p_ref, x_ref, b_ref, wr_ref, br_ref, wo_ref,
                x_out_ref, h_ref):
    i = pl.program_id(0)
    cdims = (((1,), (1,)), ((), ()))
    t = (lax.dot_general(p_ref[...], wr_ref[...], cdims,
                         preferred_element_type=jnp.float32)
         + br_ref[...]
         + lax.dot_general(x_ref[...], wo_ref[...], cdims,
                           preferred_element_type=jnp.float32))
    m = jnp.mean(t, axis=1, keepdims=True)
    v = jnp.mean((t - m) ** 2, axis=1, keepdims=True)
    xn = jnp.maximum((t - m) * lax.rsqrt(v + 1e-5), 0.0)
    x_out_ref[...] = xn

    b = b_ref[0]

    @pl.when(i == 0)
    def _():
        h_ref[...] = jnp.full((G, H), -jnp.inf, jnp.float32)

    glo = jnp.min(b)
    ghi = jnp.max(b)

    def gbody(g, carry):
        sel = jnp.where(b == g, xn, -jnp.inf)
        mx = jnp.max(sel, axis=0, keepdims=True)
        h_ref[pl.ds(g, 1), :] = jnp.maximum(h_ref[pl.ds(g, 1), :], mx)
        return carry
    lax.fori_loop(glo, ghi + 1, gbody, 0)


def _layer_in_specs():
    return [
        pl.BlockSpec((BR, H), lambda i: (i, 0)),
        pl.BlockSpec((BR, H), lambda i: (i, 0)),
        pl.BlockSpec((1, BR, 1), lambda i: (i, 0, 0)),
        pl.BlockSpec((H, H), lambda i: (0, 0)),
        pl.BlockSpec((1, H), lambda i: (0, 0)),
        pl.BlockSpec((H, H), lambda i: (0, 0)),
    ]


_layer_tc = pl.pallas_call(
    _layer_body,
    grid=(GR,),
    in_specs=_layer_in_specs(),
    out_specs=[pl.BlockSpec((BR, H), lambda i: (i, 0)),
               pl.BlockSpec((G, H), lambda i: (0, 0))],
    out_shape=[jax.ShapeDtypeStruct((N, H), jnp.float32),
               jax.ShapeDtypeStruct((G, H), jnp.float32)],
)


def _mlp_body(h1_ref, h2_ref, h3_ref, wl1_ref, bl1_ref, wl2_ref, bl2_ref,
              out_ref):
    h = jnp.concatenate([h1_ref[...], h2_ref[...], h3_ref[...]], axis=1)
    cdims = (((1,), (1,)), ((), ()))
    t = lax.dot_general(h, wl1_ref[...], cdims,
                        preferred_element_type=jnp.float32) + bl1_ref[...]
    t = jnp.maximum(t, 0.0)
    o = lax.dot_general(t, wl2_ref[...], cdims,
                        preferred_element_type=jnp.float32) + bl2_ref[...]
    nrm = jnp.sqrt(jnp.sum(o * o, axis=1, keepdims=True))
    out_ref[...] = o / jnp.maximum(nrm, 1e-12)


_mlp = pl.pallas_call(
    _mlp_body,
    out_shape=jax.ShapeDtypeStruct((G, H // 2), jnp.float32),
)



def kernel(x, edge_index, batch, Wr1, br1, Wo1, Wr2, br2, Wo2, Wr3, br3, Wo3,
           Wl1, bl1, Wl2, bl2):
    src3 = edge_index[0].astype(jnp.int32).reshape(NS, NCH, CH)
    dst3 = edge_index[1].astype(jnp.int32).reshape(NS, NCH, CH)
    batch_r = batch.astype(jnp.int32).reshape(GR, BR, 1)

    seg = _seg_sum_kernel()

    Wr = jnp.stack([Wr1, Wr2, Wr3])
    brs = jnp.stack([br1.reshape(1, H), br2.reshape(1, H), br3.reshape(1, H)])
    Wo = jnp.stack([Wo1, Wo2, Wo3])

    def step(xin, w):
        wr, br_l, wo = w
        p = seg(xin, src3, dst3).reshape(NC * NHALF, H)
        xn, h = _layer_tc(p, xin, batch_r, wr, br_l, wo)
        return xn, h

    _, hs = lax.scan(step, x, (Wr, brs, Wo))

    return _mlp(hs[0], hs[1], hs[2], Wl1, bl1.reshape(1, 2 * H), Wl2,
                bl2.reshape(1, H // 2))

# --- scband reference (transcript-rebuilt; emitter-appended) ---
"""Pipeline reference for scband-graph-conv-instance-global-max-small-10874857193951 (READ-ONLY COPY).

The authoritative reference and input builder live on the scoring server;
editing this copy changes nothing except your own understanding.
"""

import jax, jax.numpy as jnp
import numpy as np

N = 10000
E = 320000
D = 128
H = 128
G = 64


def setup_inputs(seed: int = 0) -> dict:
    key = jax.random.key(seed)
    ks = jax.random.split(key, 20)
    s = 0.05
    inp = {
        'x': jax.random.normal(ks[0], (N, D), jnp.float32),
        'edge_index': jax.random.randint(ks[1], (2, E), 0, N),
        'batch': jnp.sort(jax.random.randint(ks[2], (N,), 0, G)),
        # GraphConv params: lin_rel (weight+bias) applied to aggregated msgs, lin_root (no bias)
        'Wr1': jax.random.normal(ks[3], (H, D), jnp.float32) * s,
        'br1': jax.random.normal(ks[4], (H,), jnp.float32) * s,
        'Wo1': jax.random.normal(ks[5], (H, D), jnp.float32) * s,
        'Wr2': jax.random.normal(ks[6], (H, H), jnp.float32) * s,
        'br2': jax.random.normal(ks[7], (H,), jnp.float32) * s,
        'Wo2': jax.random.normal(ks[8], (H, H), jnp.float32) * s,
        'Wr3': jax.random.normal(ks[9], (H, H), jnp.float32) * s,
        'br3': jax.random.normal(ks[10], (H,), jnp.float32) * s,
        'Wo3': jax.random.normal(ks[11], (H, H), jnp.float32) * s,
        'Wl1': jax.random.normal(ks[12], (2 * H, 3 * H), jnp.float32) * s,
        'bl1': jax.random.normal(ks[13], (2 * H,), jnp.float32) * s,
        'Wl2': jax.random.normal(ks[14], (H // 2, 2 * H), jnp.float32) * s,
        'bl2': jax.random.normal(ks[15], (H // 2,), jnp.float32) * s,
    }
    return inp


def _graph_conv(x, src, dst, Wr, br, Wo):
    # PyG GraphConv (aggr='add'): out = lin_rel(sum_{j->i} x_j) + lin_root(x_i)
    agg = jax.ops.segment_sum(x[src], dst, num_segments=N)
    return agg @ Wr.T + br + x @ Wo.T


def _inorm(x):
    # InstanceNorm1d on a 2D tensor [N, H] is interpreted as (C, L):
    # normalize each row over the feature dim, affine=False, eps=1e-5, biased var
    m = jnp.mean(x, axis=1, keepdims=True)
    v = jnp.mean((x - m) ** 2, axis=1, keepdims=True)
    return (x - m) / jnp.sqrt(v + 1e-5)


def reference(x, edge_index, batch, Wr1, br1, Wo1, Wr2, br2, Wo2, Wr3, br3, Wo3, Wl1, bl1, Wl2, bl2):
    src = edge_index[0]
    dst = edge_index[1]
    x1 = jax.nn.relu(_inorm(_graph_conv(x, src, dst, Wr1, br1, Wo1)))
    x2 = jax.nn.relu(_inorm(_graph_conv(x1, src, dst, Wr2, br2, Wo2)))
    x3 = jax.nn.relu(_inorm(_graph_conv(x2, src, dst, Wr3, br3, Wo3)))
    h1 = jax.ops.segment_max(x1, batch, num_segments=G)
    h2 = jax.ops.segment_max(x2, batch, num_segments=G)
    h3 = jax.ops.segment_max(x3, batch, num_segments=G)
    h = jnp.concatenate([h1, h2, h3], axis=1)
    h = h @ Wl1.T + bl1
    # dropout is identity in eval mode
    h = jax.nn.relu(h)
    out = h @ Wl2.T + bl2
    nrm = jnp.sqrt(jnp.sum(out ** 2, axis=1, keepdims=True))
    return out / jnp.maximum(nrm, 1e-12)

if __name__ == "__main__":
    import jax
    _d = setup_inputs()
    print(jax.jit(kernel)(*tuple(_d.values())))

</pallas_src>

<mosaic_0001>
#map = affine_map<(d0, d1) -> (0, 0)>
#map1 = affine_map<(d0, d1) -> (0, 0, 0)>
module attributes {stable_mosaic.version = 14 : i64} {
  func.func @_seg_sum_body(%arg0: i32, %arg1: i32, %arg2: memref<10000x128xf32, #tpu.memory_space<hbm>>, %arg3: memref<16x250x80xi32, #tpu.memory_space<hbm>>, %arg4: memref<16x250x80xi32, #tpu.memory_space<hbm>>, %arg5: memref<2x5120x128xf32, #tpu.memory_space<hbm>>, %arg6: memref<250x80xi32, #tpu.memory_space<vmem>>, %arg7: memref<250x80xi32, #tpu.memory_space<vmem>>, %arg8: memref<80x128xf32, #tpu.memory_space<vmem>>, %arg9: memref<80x128xf32, #tpu.memory_space<vmem>>, %arg10: memref<5184x128xf32, #tpu.memory_space<vmem_shared>>, %arg11: memref<!tpu.dma_semaphore, #tpu.memory_space<semaphore_mem>>, %arg12: memref<!tpu.dma_semaphore, #tpu.memory_space<semaphore_mem>>, %arg13: memref<!tpu.dma_semaphore, #tpu.memory_space<semaphore_mem>>, %arg14: memref<!tpu.dma_semaphore, #tpu.memory_space<semaphore_mem>>) attributes {dimension_semantics = [#tpu.dimension_semantics<core_parallel>, #tpu.dimension_semantics<subcore_parallel>], iteration_bounds = array<i64: 2, 16>, scalar_prefetch = 0 : i64, scratch_operands = 9 : i64, tpu.core_type = #tpu.core_type<sc_vector_subcore>, window_params = [{transform_indices = #map}, {transform_indices = #map1}, {transform_indices = #map1}, {transform_indices = #map1}]} {
    %scan3A = arith.constant 0 : i32
    %scan3A_0 = arith.constant 0 : i32
    %scan3A_1 = arith.constant 80 : i32
    %scan3A_2 = arith.addi %scan3A_0, %scan3A_1 : i32
    %scan3A_3 = arith.constant 1 : i32
    scf.for %scan3A_64 = %scan3A_0 to %scan3A_2 step %scan3A_3  : i32 {
      %broadcast_in_dim3A = arith.constant 0.000000e+00 : f32
      %broadcast_in_dim3A_65 = vector.broadcast %broadcast_in_dim3A : f32 to vector<16xf32>
      %swap3A = arith.index_cast %scan3A_64 : i32 to index
      %swap3A_66 = arith.constant 0 : index
      %swap3A_67 = tpu.vector_load %arg8[%swap3A, %swap3A_66] {strides = array<i32>} : memref<80x128xf32, #tpu.memory_space<vmem>>, vector<1x16xf32>,
      %swap3A_68 = vector.shape_cast %swap3A_67 : vector<1x16xf32> to vector<16xf32>
      %swap3A_69 = vector.shape_cast %broadcast_in_dim3A_65 : vector<16xf32> to vector<1x16xf32>
      tpu.vector_store %arg8[%swap3A, %swap3A_66], %swap3A_69 {strides = array<i32>} : memref<80x128xf32, #tpu.memory_space<vmem>>, vector<1x16xf32>,
      %broadcast_in_dim3A_70 = arith.constant 0.000000e+00 : f32
      %broadcast_in_dim3A_71 = vector.broadcast %broadcast_in_dim3A_70 : f32 to vector<16xf32>
      %swap3A_72 = arith.index_cast %scan3A_64 : i32 to index
      %swap3A_73 = arith.constant 16 : index
      %swap3A_74 = tpu.vector_load %arg8[%swap3A_72, %swap3A_73] {strides = array<i32>} : memref<80x128xf32, #tpu.memory_space<vmem>>, vector<1x16xf32>,
      %swap3A_75 = vector.shape_cast %swap3A_74 : vector<1x16xf32> to vector<16xf32>
      %swap3A_76 = vector.shape_cast %broadcast_in_dim3A_71 : vector<16xf32> to vector<1x16xf32>
      tpu.vector_store %arg8[%swap3A_72, %swap3A_73], %swap3A_76 {strides = array<i32>} : memref<80x128xf32, #tpu.memory_space<vmem>>, vector<1x16xf32>,
      %broadcast_in_dim3A_77 = arith.constant 0.000000e+00 : f32
      %broadcast_in_dim3A_78 = vector.broadcast %broadcast_in_dim3A_77 : f32 to vector<16xf32>
      %swap3A_79 = arith.index_cast %scan3A_64 : i32 to index
      %swap3A_80 = arith.constant 32 : index
      %swap3A_81 = tpu.vector_load %arg8[%swap3A_79, %swap3A_80] {strides = array<i32>} : memref<80x128xf32, #tpu.memory_space<vmem>>, vector<1x16xf32>,
      %swap3A_82 = vector.shape_cast %swap3A_81 : vector<1x16xf32> to vector<16xf32>
      %swap3A_83 = vector.shape_cast %broadcast_in_dim3A_78 : vector<16xf32> to vector<1x16xf32>
      tpu.vector_store %arg8[%swap3A_79, %swap3A_80], %swap3A_83 {strides = array<i32>} : memref<80x128xf32, #tpu.memory_space<vmem>>, vector<1x16xf32>,
      %broadcast_in_dim3A_84 = arith.constant 0.000000e+00 : f32
      %broadcast_in_dim3A_85 = vector.broadcast %broadcast_in_dim3A_84 : f32 to vector<16xf32>
      %swap3A_86 = arith.index_cast %scan3A_64 : i32 to index
      %swap3A_87 = arith.constant 48 : index
      %swap3A_88 = tpu.vector_load %arg8[%swap3A_86, %swap3A_87] {strides = array<i32>} : memref<80x128xf32, #tpu.memory_space<vmem>>, vector<1x16xf32>,
      %swap3A_89 = vector.shape_cast %swap3A_88 : vector<1x16xf32> to vector<16xf32>
      %swap3A_90 = vector.shape_cast %broadcast_in_dim3A_85 : vector<16xf32> to vector<1x16xf32>
      tpu.vector_store %arg8[%swap3A_86, %swap3A_87], %swap3A_90 {strides = array<i32>} : memref<80x128xf32, #tpu.memory_space<vmem>>, vector<1x16xf32>,
      %broadcast_in_dim3A_91 = arith.constant 0.000000e+00 : f32
      %broadcast_in_dim3A_92 = vector.broadcast %broadcast_in_dim3A_91 : f32 to vector<16xf32>
      %swap3A_93 = arith.index_cast %scan3A_64 : i32 to index
      %swap3A_94 = arith.constant 64 : index
      %swap3A_95 = tpu.vector_load %arg8[%swap3A_93, %swap3A_94] {strides = array<i32>} : memref<80x128xf32, #tpu.memory_space<vmem>>, vector<1x16xf32>,
      %swap3A_96 = vector.shape_cast %swap3A_95 : vector<1x16xf32> to vector<16xf32>
      %swap3A_97 = vector.shape_cast %broadcast_in_dim3A_92 : vector<16xf32> to vector<1x16xf32>
      tpu.vector_store %arg8[%swap3A_93, %swap3A_94], %swap3A_97 {strides = array<i32>} : memref<80x128xf32, #tpu.memory_space<vmem>>, vector<1x16xf32>,
      %broadcast_in_dim3A_98 = arith.constant 0.000000e+00 : f32
      %broadcast_in_dim3A_99 = vector.broadcast %broadcast_in_dim3A_98 : f32 to vector<16xf32>
      %swap3A_100 = arith.index_cast %scan3A_64 : i32 to index
      %swap3A_101 = arith.constant 80 : index
      %swap3A_102 = tpu.vector_load %arg8[%swap3A_100, %swap3A_101] {strides = array<i32>} : memref<80x128xf32, #tpu.memory_space<vmem>>, vector<1x16xf32>,
      %swap3A_103 = vector.shape_cast %swap3A_102 : vector<1x16xf32> to vector<16xf32>
      %swap3A_104 = vector.shape_cast %broadcast_in_dim3A_99 : vector<16xf32> to vector<1x16xf32>
      tpu.vector_store %arg8[%swap3A_100, %swap3A_101], %swap3A_104 {strides = array<i32>} : memref<80x128xf32, #tpu.memory_space<vmem>>, vector<1x16xf32>,
      %broadcast_in_dim3A_105 = arith.constant 0.000000e+00 : f32
      %broadcast_in_dim3A_106 = vector.broadcast %broadcast_in_dim3A_105 : f32 to vector<16xf32>
      %swap3A_107 = arith.index_cast %scan3A_64 : i32 to index
      %swap3A_108 = arith.constant 96 : index
      %swap3A_109 = tpu.vector_load %arg8[%swap3A_107, %swap3A_108] {strides = array<i32>} : memref<80x128xf32, #tpu.memory_space<vmem>>, vector<1x16xf32>,
      %swap3A_110 = vector.shape_cast %swap3A_109 : vector<1x16xf32> to vector<16xf32>
      %swap3A_111 = vector.shape_cast %broadcast_in_dim3A_106 : vector<16xf32> to vector<1x16xf32>
      tpu.vector_store %arg8[%swap3A_107, %swap3A_108], %swap3A_111 {strides = array<i32>} : memref<80x128xf32, #tpu.memory_space<vmem>>, vector<1x16xf32>,
      %broadcast_in_dim3A_112 = arith.constant 0.000000e+00 : f32
      %broadcast_in_dim3A_113 = vector.broadcast %broadcast_in_dim3A_112 : f32 to vector<16xf32>
      %swap3A_114 = arith.index_cast %scan3A_64 : i32 to index
      %swap3A_115 = arith.constant 112 : index
      %swap3A_116 = tpu.vector_load %arg8[%swap3A_114, %swap3A_115] {strides = array<i32>} : memref<80x128xf32, #tpu.memory_space<vmem>>, vector<1x16xf32>,
      %swap3A_117 = vector.shape_cast %swap3A_116 : vector<1x16xf32> to vector<16xf32>
      %swap3A_118 = vector.shape_cast %broadcast_in_dim3A_113 : vector<16xf32> to vector<1x16xf32>
      tpu.vector_store %arg8[%swap3A_114, %swap3A_115], %swap3A_118 {strides = array<i32>} : memref<80x128xf32, #tpu.memory_space<vmem>>, vector<1x16xf32>,
    }
    %scan3A_4 = arith.constant 80 : i32
    %mul3A = arith.constant 320 : i32
    %mul3A_5 = arith.muli %arg1, %mul3A : i32
    %add3A = arith.constant 0 : i32
    %add3A_6 = arith.addi %mul3A_5, %add3A : i32
    "tpu.region"() ({
      %run_scoped3A = tpu.sem_alloc : memref<!tpu.dma_semaphore, #tpu.memory_space<semaphore_mem>>
      %dma_start3A_64 = arith.constant 0 : i32
      %dma_start3A_65 = tpu.memref_slice %arg10[%add3A_6, %dma_start3A_64] : memref<5184x128xf32, #tpu.memory_space<vmem_shared>> -> memref<80x128xf32, #tpu.memory_space<vmem_shared>>
      %dma_start3A_66 = arith.constant 0 : i32
      %dma_start3A_67 = tpu.memref_slice %arg10[%add3A_6, %dma_start3A_66] : memref<5184x128xf32, #tpu.memory_space<vmem_shared>> -> memref<80x128xf32, #tpu.memory_space<vmem_shared>>
      tpu.enqueue_dma source(%arg8 : memref<80x128xf32, #tpu.memory_space<vmem>>) target(%dma_start3A_67 : memref<80x128xf32, #tpu.memory_space<vmem_shared>>) target_semaphore(%run_scoped3A : memref<!tpu.dma_semaphore, #tpu.memory_space<semaphore_mem>>)
      %dma_wait3A_68 = arith.constant 0 : i32
      %dma_wait3A_69 = tpu.memref_slice %arg10[%add3A_6, %dma_wait3A_68] : memref<5184x128xf32, #tpu.memory_space<vmem_shared>> -> memref<80x128xf32, #tpu.memory_space<vmem_shared>>
      %dma_wait3A_70 = arith.constant 0 : i32
      %dma_wait3A_71 = tpu.memref_slice %arg10[%add3A_6, %dma_wait3A_70] : memref<5184x128xf32, #tpu.memory_space<vmem_shared>> -> memref<80x128xf32, #tpu.memory_space<vmem_shared>>
      tpu.wait_dma2 semaphore(%run_scoped3A : memref<!tpu.dma_semaphore, #tpu.memory_space<semaphore_mem>>) src(%arg8 : memref<80x128xf32, #tpu.memory_space<vmem>>) dst(%dma_wait3A_71 : memref<80x128xf32, #tpu.memory_space<vmem_shared>>)
      tpu.yield
    }) : () -> ()
    %mul3A_7 = arith.constant 320 : i32
    %mul3A_8 = arith.muli %arg1, %mul3A_7 : i32
    %add3A_9 = arith.constant 80 : i32
    %add3A_10 = arith.addi %mul3A_8, %add3A_9 : i32
    "tpu.region"() ({
      %run_scoped3A = tpu.sem_alloc : memref<!tpu.dma_semaphore, #tpu.memory_space<semaphore_mem>>
      %dma_start3A_64 = arith.constant 0 : i32
      %dma_start3A_65 = tpu.memref_slice %arg10[%add3A_10, %dma_start3A_64] : memref<5184x128xf32, #tpu.memory_space<vmem_shared>> -> memref<80x128xf32, #tpu.memory_space<vmem_shared>>
      %dma_start3A_66 = arith.constant 0 : i32
      %dma_start3A_67 = tpu.memref_slice %arg10[%add3A_10, %dma_start3A_66] : memref<5184x128xf32, #tpu.memory_space<vmem_shared>> -> memref<80x128xf32, #tpu.memory_space<vmem_shared>>
      tpu.enqueue_dma source(%arg8 : memref<80x128xf32, #tpu.memory_space<vmem>>) target(%dma_start3A_67 : memref<80x128xf32, #tpu.memory_space<vmem_shared>>) target_semaphore(%run_scoped3A : memref<!tpu.dma_semaphore, #tpu.memory_space<semaphore_mem>>)
      %dma_wait3A_68 = arith.constant 0 : i32
      %dma_wait3A_69 = tpu.memref_slice %arg10[%add3A_10, %dma_wait3A_68] : memref<5184x128xf32, #tpu.memory_space<vmem_shared>> -> memref<80x128xf32, #tpu.memory_space<vmem_shared>>
      %dma_wait3A_70 = arith.constant 0 : i32
      %dma_wait3A_71 = tpu.memref_slice %arg10[%add3A_10, %dma_wait3A_70] : memref<5184x128xf32, #tpu.memory_space<vmem_shared>> -> memref<80x128xf32, #tpu.memory_space<vmem_shared>>
      tpu.wait_dma2 semaphore(%run_scoped3A : memref<!tpu.dma_semaphore, #tpu.memory_space<semaphore_mem>>) src(%arg8 : memref<80x128xf32, #tpu.memory_space<vmem>>) dst(%dma_wait3A_71 : memref<80x128xf32, #tpu.memory_space<vmem_shared>>)
      tpu.yield
    }) : () -> ()
    %mul3A_11 = arith.constant 320 : i32
    %mul3A_12 = arith.muli %arg1, %mul3A_11 : i32
    %add3A_13 = arith.constant 160 : i32
    %add3A_14 = arith.addi %mul3A_12, %add3A_13 : i32
    "tpu.region"() ({
      %run_scoped3A = tpu.sem_alloc : memref<!tpu.dma_semaphore, #tpu.memory_space<semaphore_mem>>
      %dma_start3A_64 = arith.constant 0 : i32
      %dma_start3A_65 = tpu.memref_slice %arg10[%add3A_14, %dma_start3A_64] : memref<5184x128xf32, #tpu.memory_space<vmem_shared>> -> memref<80x128xf32, #tpu.memory_space<vmem_shared>>
      %dma_start3A_66 = arith.constant 0 : i32
      %dma_start3A_67 = tpu.memref_slice %arg10[%add3A_14, %dma_start3A_66] : memref<5184x128xf32, #tpu.memory_space<vmem_shared>> -> memref<80x128xf32, #tpu.memory_space<vmem_shared>>
      tpu.enqueue_dma source(%arg8 : memref<80x128xf32, #tpu.memory_space<vmem>>) target(%dma_start3A_67 : memref<80x128xf32, #tpu.memory_space<vmem_shared>>) target_semaphore(%run_scoped3A : memref<!tpu.dma_semaphore, #tpu.memory_space<semaphore_mem>>)
      %dma_wait3A_68 = arith.constant 0 : i32
      %dma_wait3A_69 = tpu.memref_slice %arg10[%add3A_14, %dma_wait3A_68] : memref<5184x128xf32, #tpu.memory_space<vmem_shared>> -> memref<80x128xf32, #tpu.memory_space<vmem_shared>>
      %dma_wait3A_70 = arith.constant 0 : i32
      %dma_wait3A_71 = tpu.memref_slice %arg10[%add3A_14, %dma_wait3A_70] : memref<5184x128xf32, #tpu.memory_space<vmem_shared>> -> memref<80x128xf32, #tpu.memory_space<vmem_shared>>
      tpu.wait_dma2 semaphore(%run_scoped3A : memref<!tpu.dma_semaphore, #tpu.memory_space<semaphore_mem>>) src(%arg8 : memref<80x128xf32, #tpu.memory_space<vmem>>) dst(%dma_wait3A_71 : memref<80x128xf32, #tpu.memory_space<vmem_shared>>)
      tpu.yield
    }) : () -> ()
    %mul3A_15 = arith.constant 320 : i32
    %mul3A_16 = arith.muli %arg1, %mul3A_15 : i32
    %add3A_17 = arith.constant 240 : i32
    %add3A_18 = arith.addi %mul3A_16, %add3A_17 : i32
    "tpu.region"() ({
      %run_scoped3A = tpu.sem_alloc : memref<!tpu.dma_semaphore, #tpu.memory_space<semaphore_mem>>
      %dma_start3A_64 = arith.constant 0 : i32
      %dma_start3A_65 = tpu.memref_slice %arg10[%add3A_18, %dma_start3A_64] : memref<5184x128xf32, #tpu.memory_space<vmem_shared>> -> memref<80x128xf32, #tpu.memory_space<vmem_shared>>
      %dma_start3A_66 = arith.constant 0 : i32
      %dma_start3A_67 = tpu.memref_slice %arg10[%add3A_18, %dma_start3A_66] : memref<5184x128xf32, #tpu.memory_space<vmem_shared>> -> memref<80x128xf32, #tpu.memory_space<vmem_shared>>
      tpu.enqueue_dma source(%arg8 : memref<80x128xf32, #tpu.memory_space<vmem>>) target(%dma_start3A_67 : memref<80x128xf32, #tpu.memory_space<vmem_shared>>) target_semaphore(%run_scoped3A : memref<!tpu.dma_semaphore, #tpu.memory_space<semaphore_mem>>)
      %dma_wait3A_68 = arith.constant 0 : i32
      %dma_wait3A_69 = tpu.memref_slice %arg10[%add3A_18, %dma_wait3A_68] : memref<5184x128xf32, #tpu.memory_space<vmem_shared>> -> memref<80x128xf32, #tpu.memory_space<vmem_shared>>
      %dma_wait3A_70 = arith.constant 0 : i32
      %dma_wait3A_71 = tpu.memref_slice %arg10[%add3A_18, %dma_wait3A_70] : memref<5184x128xf32, #tpu.memory_space<vmem_shared>> -> memref<80x128xf32, #tpu.memory_space<vmem_shared>>
      tpu.wait_dma2 semaphore(%run_scoped3A : memref<!tpu.dma_semaphore, #tpu.memory_space<semaphore_mem>>) src(%arg8 : memref<80x128xf32, #tpu.memory_space<vmem>>) dst(%dma_wait3A_71 : memref<80x128xf32, #tpu.memory_space<vmem_shared>>)
      tpu.yield
    }) : () -> ()
    %eq3A = arith.constant 0 : i32
    %eq3A_19 = arith.cmpi eq, %arg1, %eq3A : i32
    %convert_element_type3A = arith.extui %eq3A_19 : i1 to i32
    %cond3A = arith.constant 0 : i32
    %cond3A_20 = arith.cmpi ne, %convert_element_type3A, %cond3A : i32
    scf.if %cond3A_20 {
      "tpu.region"() ({
        %run_scoped3A = tpu.sem_alloc : memref<!tpu.dma_semaphore, #tpu.memory_space<semaphore_mem>>
        %dma_start3A_64 = arith.constant 0 : i32
        %dma_start3A_65 = arith.constant 0 : i32
        %dma_start3A_66 = tpu.memref_slice %arg8[%dma_start3A_64, %dma_start3A_65] : memref<80x128xf32, #tpu.memory_space<vmem>> -> memref<64x128xf32, #tpu.memory_space<vmem>>
        %dma_start3A_67 = arith.constant 5120 : i32
        %dma_start3A_68 = arith.constant 0 : i32
        %dma_start3A_69 = tpu.memref_slice %arg10[%dma_start3A_67, %dma_start3A_68] : memref<5184x128xf32, #tpu.memory_space<vmem_shared>> -> memref<64x128xf32, #tpu.memory_space<vmem_shared>>
        %dma_start3A_70 = arith.constant 5120 : i32
        %dma_start3A_71 = arith.constant 0 : i32
        %dma_start3A_72 = tpu.memref_slice %arg10[%dma_start3A_70, %dma_start3A_71] : memref<5184x128xf32, #tpu.memory_space<vmem_shared>> -> memref<64x128xf32, #tpu.memory_space<vmem_shared>>
        %dma_start3A_73 = arith.constant 0 : i32
        %dma_start3A_74 = arith.constant 0 : i32
        %dma_start3A_75 = tpu.memref_slice %arg8[%dma_start3A_73, %dma_start3A_74] : memref<80x128xf32, #tpu.memory_space<vmem>> -> memref<64x128xf32, #tpu.memory_space<vmem>>
        tpu.enqueue_dma source(%dma_start3A_75 : memref<64x128xf32, #tpu.memory_space<vmem>>) target(%dma_start3A_72 : memref<64x128xf32, #tpu.memory_space<vmem_shared>>) target_semaphore(%run_scoped3A : memref<!tpu.dma_semaphore, #tpu.memory_space<semaphore_mem>>)
        %dma_wait3A_76 = arith.constant 0 : i32
        %dma_wait3A_77 = arith.constant 0 : i32
        %dma_wait3A_78 = tpu.memref_slice %arg8[%dma_wait3A_76, %dma_wait3A_77] : memref<80x128xf32, #tpu.memory_space<vmem>> -> memref<64x128xf32, #tpu.memory_space<vmem>>
        %dma_wait3A_79 = arith.constant 5120 : i32
        %dma_wait3A_80 = arith.constant 0 : i32
        %dma_wait3A_81 = tpu.memref_slice %arg10[%dma_wait3A_79, %dma_wait3A_80] : memref<5184x128xf32, #tpu.memory_space<vmem_shared>> -> memref<64x128xf32, #tpu.memory_space<vmem_shared>>
        %dma_wait3A_82 = arith.constant 5120 : i32
        %dma_wait3A_83 = arith.constant 0 : i32
        %dma_wait3A_84 = tpu.memref_slice %arg10[%dma_wait3A_82, %dma_wait3A_83] : memref<5184x128xf32, #tpu.memory_space<vmem_shared>> -> memref<64x128xf32, #tpu.memory_space<vmem_shared>>
        %dma_wait3A_85 = arith.constant 0 : i32
        %dma_wait3A_86 = arith.constant 0 : i32
        %dma_wait3A_87 = tpu.memref_slice %arg8[%dma_wait3A_85, %dma_wait3A_86] : memref<80x128xf32, #tpu.memory_space<vmem>> -> memref<64x128xf32, #tpu.memory_space<vmem>>
        tpu.wait_dma2 semaphore(%run_scoped3A : memref<!tpu.dma_semaphore, #tpu.memory_space<semaphore_mem>>) src(%dma_wait3A_87 : memref<64x128xf32, #tpu.memory_space<vmem>>) dst(%dma_wait3A_84 : memref<64x128xf32, #tpu.memory_space<vmem_shared>>)
        tpu.yield
      }) : () -> ()
    } else {
    }
    "tpu.region"() ({
      %run_scoped3A = tpu.sem_alloc : memref<!tpu.dma_semaphore, #tpu.memory_space<semaphore_mem>>
      %dma_start3A_64 = arith.constant 0 : i32
      %dma_start3A_65 = arith.constant 0 : i32
      %dma_start3A_66 = tpu.memref_slice %arg3[%arg1, %dma_start3A_64, %dma_start3A_65] : memref<16x250x80xi32, #tpu.memory_space<hbm>> -> memref<1x250x80xi32, #tpu.memory_space<hbm>>
      %dma_start3A_67 = tpu.memref_squeeze %dma_start3A_66 : memref<1x250x80xi32, #tpu.memory_space<hbm>> -> memref<250x80xi32, #tpu.memory_space<hbm>>
      %dma_start3A_68 = arith.constant 0 : i32
      %dma_start3A_69 = arith.constant 0 : i32
      %dma_start3A_70 = tpu.memref_slice %arg3[%arg1, %dma_start3A_68, %dma_start3A_69] : memref<16x250x80xi32, #tpu.memory_space<hbm>> -> memref<1x250x80xi32, #tpu.memory_space<hbm>>
      %dma_start3A_71 = tpu.memref_squeeze %dma_start3A_70 : memref<1x250x80xi32, #tpu.memory_space<hbm>> -> memref<250x80xi32, #tpu.memory_space<hbm>>
      tpu.enqueue_dma source(%dma_start3A_71 : memref<250x80xi32, #tpu.memory_space<hbm>>) target(%arg6 : memref<250x80xi32, #tpu.memory_space<vmem>>) target_semaphore(%run_scoped3A : memref<!tpu.dma_semaphore, #tpu.memory_space<semaphore_mem>>)
      %dma_wait3A_72 = arith.constant 0 : i32
      %dma_wait3A_73 = arith.constant 0 : i32
      %dma_wait3A_74 = tpu.memref_slice %arg3[%arg1, %dma_wait3A_72, %dma_wait3A_73] : memref<16x250x80xi32, #tpu.memory_space<hbm>> -> memref<1x250x80xi32, #tpu.memory_space<hbm>>
      %dma_wait3A_75 = tpu.memref_squeeze %dma_wait3A_74 : memref<1x250x80xi32, #tpu.memory_space<hbm>> -> memref<250x80xi32, #tpu.memory_space<hbm>>
      %dma_wait3A_76 = arith.constant 0 : i32
      %dma_wait3A_77 = arith.constant 0 : i32
      %dma_wait3A_78 = tpu.memref_slice %arg3[%arg1, %dma_wait3A_76, %dma_wait3A_77] : memref<16x250x80xi32, #tpu.memory_space<hbm>> -> memref<1x250x80xi32, #tpu.memory_space<hbm>>
      %dma_wait3A_79 = tpu.memref_squeeze %dma_wait3A_78 : memref<1x250x80xi32, #tpu.memory_space<hbm>> -> memref<250x80xi32, #tpu.memory_space<hbm>>
      tpu.wait_dma2 semaphore(%run_scoped3A : memref<!tpu.dma_semaphore, #tpu.memory_space<semaphore_mem>>) src(%dma_wait3A_79 : memref<250x80xi32, #tpu.memory_space<hbm>>) dst(%arg6 : memref<250x80xi32, #tpu.memory_space<vmem>>)
      tpu.yield
    }) : () -> ()
    "tpu.region"() ({
      %run_scoped3A = tpu.sem_alloc : memref<!tpu.dma_semaphore, #tpu.memory_space<semaphore_mem>>
      %dma_start3A_64 = arith.constant 0 : i32
      %dma_start3A_65 = arith.constant 0 : i32
      %dma_start3A_66 = tpu.memref_slice %arg4[%arg1, %dma_start3A_64, %dma_start3A_65] : memref<16x250x80xi32, #tpu.memory_space<hbm>> -> memref<1x250x80xi32, #tpu.memory_space<hbm>>
      %dma_start3A_67 = tpu.memref_squeeze %dma_start3A_66 : memref<1x250x80xi32, #tpu.memory_space<hbm>> -> memref<250x80xi32, #tpu.memory_space<hbm>>
      %dma_start3A_68 = arith.constant 0 : i32
      %dma_start3A_69 = arith.constant 0 : i32
      %dma_start3A_70 = tpu.memref_slice %arg4[%arg1, %dma_start3A_68, %dma_start3A_69] : memref<16x250x80xi32, #tpu.memory_space<hbm>> -> memref<1x250x80xi32, #tpu.memory_space<hbm>>
      %dma_start3A_71 = tpu.memref_squeeze %dma_start3A_70 : memref<1x250x80xi32, #tpu.memory_space<hbm>> -> memref<250x80xi32, #tpu.memory_space<hbm>>
      tpu.enqueue_dma source(%dma_start3A_71 : memref<250x80xi32, #tpu.memory_space<hbm>>) target(%arg7 : memref<250x80xi32, #tpu.memory_space<vmem>>) target_semaphore(%run_scoped3A : memref<!tpu.dma_semaphore, #tpu.memory_space<semaphore_mem>>)
      %dma_wait3A_72 = arith.constant 0 : i32
      %dma_wait3A_73 = arith.constant 0 : i32
      %dma_wait3A_74 = tpu.memref_slice %arg4[%arg1, %dma_wait3A_72, %dma_wait3A_73] : memref<16x250x80xi32, #tpu.memory_space<hbm>> -> memref<1x250x80xi32, #tpu.memory_space<hbm>>
      %dma_wait3A_75 = tpu.memref_squeeze %dma_wait3A_74 : memref<1x250x80xi32, #tpu.memory_space<hbm>> -> memref<250x80xi32, #tpu.memory_space<hbm>>
      %dma_wait3A_76 = arith.constant 0 : i32
      %dma_wait3A_77 = arith.constant 0 : i32
      %dma_wait3A_78 = tpu.memref_slice %arg4[%arg1, %dma_wait3A_76, %dma_wait3A_77] : memref<16x250x80xi32, #tpu.memory_space<hbm>> -> memref<1x250x80xi32, #tpu.memory_space<hbm>>
      %dma_wait3A_79 = tpu.memref_squeeze %dma_wait3A_78 : memref<1x250x80xi32, #tpu.memory_space<hbm>> -> memref<250x80xi32, #tpu.memory_space<hbm>>
      tpu.wait_dma2 semaphore(%run_scoped3A : memref<!tpu.dma_semaphore, #tpu.memory_space<semaphore_mem>>) src(%dma_wait3A_79 : memref<250x80xi32, #tpu.memory_space<hbm>>) dst(%arg7 : memref<250x80xi32, #tpu.memory_space<vmem>>)
      tpu.yield
    }) : () -> ()
    %mul3A_21 = arith.constant 5120 : i32
    %mul3A_22 = arith.muli %arg0, %mul3A_21 : i32
    %scan3A_23 = arith.constant 0 : i32
    %scan3A_24 = arith.constant 0 : i32
    %scan3A_25 = arith.constant 250 : i32
    %scan3A_26 = arith.addi %scan3A_24, %scan3A_25 : i32
    %scan3A_27 = arith.constant 1 : i32
    scf.for %scan3A_64 = %scan3A_24 to %scan3A_26 step %scan3A_27  : i32 {
      %get3A = arith.index_cast %scan3A_64 : i32 to index
      %get3A_65 = arith.constant 0 : index
      %get3A_66 = tpu.vector_load %arg7[%get3A, %get3A_65] {strides = array<i32>} : memref<250x80xi32, #tpu.memory_space<vmem>>, vector<1x16xi32>,
      %get3A_67 = vector.shape_cast %get3A_66 : vector<1x16xi32> to vector<16xi32>
      %sub3A = vector.broadcast %mul3A_22 : i32 to vector<16xi32>
      %sub3A_68 = arith.subi %get3A_67, %sub3A : vector<16xi32>
      %ge3A = arith.constant 0 : i32
      %ge3A_69 = vector.broadcast %ge3A : i32 to vector<16xi32>
      %ge3A_70 = arith.cmpi sge, %sub3A_68, %ge3A_69 : vector<16xi32>
      %lt3A = arith.constant 5120 : i32
      %lt3A_71 = vector.broadcast %lt3A : i32 to vector<16xi32>
      %lt3A_72 = arith.cmpi slt, %sub3A_68, %lt3A_71 : vector<16xi32>
      %and3A = arith.andi %ge3A_70, %lt3A_72 : vector<16xi1>
      %jit3A = arith.constant 5120 : i32
      %broadcast_in_dim3A = vector.broadcast %jit3A : i32 to vector<16xi32>
      %select_n3A = arith.select %and3A, %sub3A_68, %broadcast_in_dim3A : vector<16xi1>, vector<16xi32>
      %swap3A = arith.index_cast %scan3A_64 : i32 to index
      %swap3A_73 = arith.constant 0 : index
      %swap3A_74 = tpu.vector_load %arg7[%swap3A, %swap3A_73] {strides = array<i32>} : memref<250x80xi32, #tpu.memory_space<vmem>>, vector<1x16xi32>,
      %swap3A_75 = vector.shape_cast %swap3A_74 : vector<1x16xi32> to vector<16xi32>
      %swap3A_76 = vector.shape_cast %select_n3A : vector<16xi32> to vector<1x16xi32>
      tpu.vector_store %arg7[%swap3A, %swap3A_73], %swap3A_76 {strides = array<i32>} : memref<250x80xi32, #tpu.memory_space<vmem>>, vector<1x16xi32>,
      %get3A_77 = arith.index_cast %scan3A_64 : i32 to index
      %get3A_78 = arith.constant 16 : index
      %get3A_79 = tpu.vector_load %arg7[%get3A_77, %get3A_78] {strides = array<i32>} : memref<250x80xi32, #tpu.memory_space<vmem>>, vector<1x16xi32>,
      %get3A_80 = vector.shape_cast %get3A_79 : vector<1x16xi32> to vector<16xi32>
      %sub3A_81 = vector.broadcast %mul3A_22 : i32 to vector<16xi32>
      %sub3A_82 = arith.subi %get3A_80, %sub3A_81 : vector<16xi32>
      %ge3A_83 = arith.constant 0 : i32
      %ge3A_84 = vector.broadcast %ge3A_83 : i32 to vector<16xi32>
      %ge3A_85 = arith.cmpi sge, %sub3A_82, %ge3A_84 : vector<16xi32>
      %lt3A_86 = arith.constant 5120 : i32
      %lt3A_87 = vector.broadcast %lt3A_86 : i32 to vector<16xi32>
      %lt3A_88 = arith.cmpi slt, %sub3A_82, %lt3A_87 : vector<16xi32>
      %and3A_89 = arith.andi %ge3A_85, %lt3A_88 : vector<16xi1>
      %jit3A_90 = arith.constant 5120 : i32
      %broadcast_in_dim3A_91 = vector.broadcast %jit3A_90 : i32 to vector<16xi32>
      %select_n3A_92 = arith.select %and3A_89, %sub3A_82, %broadcast_in_dim3A_91 : vector<16xi1>, vector<16xi32>
      %swap3A_93 = arith.index_cast %scan3A_64 : i32 to index
      %swap3A_94 = arith.constant 16 : index
      %swap3A_95 = tpu.vector_load %arg7[%swap3A_93, %swap3A_94] {strides = array<i32>} : memref<250x80xi32, #tpu.memory_space<vmem>>, vector<1x16xi32>,
      %swap3A_96 = vector.shape_cast %swap3A_95 : vector<1x16xi32> to vector<16xi32>
      %swap3A_97 = vector.shape_cast %select_n3A_92 : vector<16xi32> to vector<1x16xi32>
      tpu.vector_store %arg7[%swap3A_93, %swap3A_94], %swap3A_97 {strides = array<i32>} : memref<250x80xi32, #tpu.memory_space<vmem>>, vector<1x16xi32>,
      %get3A_98 = arith.index_cast %scan3A_64 : i32 to index
      %get3A_99 = arith.constant 32 : index
      %get3A_100 = tpu.vector_load %arg7[%get3A_98, %get3A_99] {strides = array<i32>} : memref<250x80xi32, #tpu.memory_space<vmem>>, vector<1x16xi32>,
      %get3A_101 = vector.shape_cast %get3A_100 : vector<1x16xi32> to vector<16xi32>
      %sub3A_102 = vector.broadcast %mul3A_22 : i32 to vector<16xi32>
      %sub3A_103 = arith.subi %get3A_101, %sub3A_102 : vector<16xi32>
      %ge3A_104 = arith.constant 0 : i32
      %ge3A_105 = vector.broadcast %ge3A_104 : i32 to vector<16xi32>
      %ge3A_106 = arith.cmpi sge, %sub3A_103, %ge3A_105 : vector<16xi32>
      %lt3A_107 = arith.constant 5120 : i32
      %lt3A_108 = vector.broadcast %lt3A_107 : i32 to vector<16xi32>
      %lt3A_109 = arith.cmpi slt, %sub3A_103, %lt3A_108 : vector<16xi32>
      %and3A_110 = arith.andi %ge3A_106, %lt3A_109 : vector<16xi1>
      %jit3A_111 = arith.constant 5120 : i32
      %broadcast_in_dim3A_112 = vector.broadcast %jit3A_111 : i32 to vector<16xi32>
      %select_n3A_113 = arith.select %and3A_110, %sub3A_103, %broadcast_in_dim3A_112 : vector<16xi1>, vector<16xi32>
      %swap3A_114 = arith.index_cast %scan3A_64 : i32 to index
      %swap3A_115 = arith.constant 32 : index
      %swap3A_116 = tpu.vector_load %arg7[%swap3A_114, %swap3A_115] {strides = array<i32>} : memref<250x80xi32, #tpu.memory_space<vmem>>, vector<1x16xi32>,
      %swap3A_117 = vector.shape_cast %swap3A_116 : vector<1x16xi32> to vector<16xi32>
      %swap3A_118 = vector.shape_cast %select_n3A_113 : vector<16xi32> to vector<1x16xi32>
      tpu.vector_store %arg7[%swap3A_114, %swap3A_115], %swap3A_118 {strides = array<i32>} : memref<250x80xi32, #tpu.memory_space<vmem>>, vector<1x16xi32>,
      %get3A_119 = arith.index_cast %scan3A_64 : i32 to index
      %get3A_120 = arith.constant 48 : index
      %get3A_121 = tpu.vector_load %arg7[%get3A_119, %get3A_120] {strides = array<i32>} : memref<250x80xi32, #tpu.memory_space<vmem>>, vector<1x16xi32>,
      %get3A_122 = vector.shape_cast %get3A_121 : vector<1x16xi32> to vector<16xi32>
      %sub3A_123 = vector.broadcast %mul3A_22 : i32 to vector<16xi32>
      %sub3A_124 = arith.subi %get3A_122, %sub3A_123 : vector<16xi32>
      %ge3A_125 = arith.constant 0 : i32
      %ge3A_126 = vector.broadcast %ge3A_125 : i32 to vector<16xi32>
      %ge3A_127 = arith.cmpi sge, %sub3A_124, %ge3A_126 : vector<16xi32>
      %lt3A_128 = arith.constant 5120 : i32
      %lt3A_129 = vector.broadcast %lt3A_128 : i32 to vector<16xi32>
      %lt3A_130 = arith.cmpi slt, %sub3A_124, %lt3A_129 : vector<16xi32>
      %and3A_131 = arith.andi %ge3A_127, %lt3A_130 : vector<16xi1>
      %jit3A_132 = arith.constant 5120 : i32
      %broadcast_in_dim3A_133 = vector.broadcast %jit3A_132 : i32 to vector<16xi32>
      %select_n3A_134 = arith.select %and3A_131, %sub3A_124, %broadcast_in_dim3A_133 : vector<16xi1>, vector<16xi32>
      %swap3A_135 = arith.index_cast %scan3A_64 : i32 to index
      %swap3A_136 = arith.constant 48 : index
      %swap3A_137 = tpu.vector_load %arg7[%swap3A_135, %swap3A_136] {strides = array<i32>} : memref<250x80xi32, #tpu.memory_space<vmem>>, vector<1x16xi32>,
      %swap3A_138 = vector.shape_cast %swap3A_137 : vector<1x16xi32> to vector<16xi32>
      %swap3A_139 = vector.shape_cast %select_n3A_134 : vector<16xi32> to vector<1x16xi32>
      tpu.vector_store %arg7[%swap3A_135, %swap3A_136], %swap3A_139 {strides = array<i32>} : memref<250x80xi32, #tpu.memory_space<vmem>>, vector<1x16xi32>,
      %get3A_140 = arith.index_cast %scan3A_64 : i32 to index
      %get3A_141 = arith.constant 64 : index
      %get3A_142 = tpu.vector_load %arg7[%get3A_140, %get3A_141] {strides = array<i32>} : memref<250x80xi32, #tpu.memory_space<vmem>>, vector<1x16xi32>,
      %get3A_143 = vector.shape_cast %get3A_142 : vector<1x16xi32> to vector<16xi32>
      %sub3A_144 = vector.broadcast %mul3A_22 : i32 to vector<16xi32>
      %sub3A_145 = arith.subi %get3A_143, %sub3A_144 : vector<16xi32>
      %ge3A_146 = arith.constant 0 : i32
      %ge3A_147 = vector.broadcast %ge3A_146 : i32 to vector<16xi32>
      %ge3A_148 = arith.cmpi sge, %sub3A_145, %ge3A_147 : vector<16xi32>
      %lt3A_149 = arith.constant 5120 : i32
      %lt3A_150 = vector.broadcast %lt3A_149 : i32 to vector<16xi32>
      %lt3A_151 = arith.cmpi slt, %sub3A_145, %lt3A_150 : vector<16xi32>
      %and3A_152 = arith.andi %ge3A_148, %lt3A_151 : vector<16xi1>
      %jit3A_153 = arith.constant 5120 : i32
      %broadcast_in_dim3A_154 = vector.broadcast %jit3A_153 : i32 to vector<16xi32>
      %select_n3A_155 = arith.select %and3A_152, %sub3A_145, %broadcast_in_dim3A_154 : vector<16xi1>, vector<16xi32>
      %swap3A_156 = arith.index_cast %scan3A_64 : i32 to index
      %swap3A_157 = arith.constant 64 : index
      %swap3A_158 = tpu.vector_load %arg7[%swap3A_156, %swap3A_157] {strides = array<i32>} : memref<250x80xi32, #tpu.memory_space<vmem>>, vector<1x16xi32>,
      %swap3A_159 = vector.shape_cast %swap3A_158 : vector<1x16xi32> to vector<16xi32>
      %swap3A_160 = vector.shape_cast %select_n3A_155 : vector<16xi32> to vector<1x16xi32>
      tpu.vector_store %arg7[%swap3A_156, %swap3A_157], %swap3A_160 {strides = array<i32>} : memref<250x80xi32, #tpu.memory_space<vmem>>, vector<1x16xi32>,
    }
    %scan3A_28 = arith.constant 250 : i32
    %barrier3A = arith.constant 0 : index
    tpu.barrier barrier_id(%barrier3A)
    %dma_start3A = arith.constant 0 : i32
    %dma_start3A_29 = arith.constant 0 : i32
    %dma_start3A_30 = tpu.memref_slice %arg6[%dma_start3A, %dma_start3A_29] : memref<250x80xi32, #tpu.memory_space<vmem>> -> memref<1x80xi32, #tpu.memory_space<vmem>>
    %dma_start3A_31 = tpu.memref_squeeze %dma_start3A_30 : memref<1x80xi32, #tpu.memory_space<vmem>> -> memref<80xi32, #tpu.memory_space<vmem>>
    %dma_start3A_32 = arith.constant 0 : i32
    %dma_start3A_33 = arith.constant 0 : i32
    %dma_start3A_34 = tpu.memref_slice %arg2[%dma_start3A_32, %dma_start3A_33] : memref<10000x128xf32, #tpu.memory_space<hbm>> -> memref<10000x128xf32, #tpu.memory_space<hbm>>
    tpu.enqueue_indirect_dma source(%dma_start3A_34 : memref<10000x128xf32, #tpu.memory_space<hbm>>) target(%arg8 : memref<80x128xf32, #tpu.memory_space<vmem>>) offsets(%dma_start3A_31 : memref<80xi32, #tpu.memory_space<vmem>>) semaphore(%arg11 : memref<!tpu.dma_semaphore, #tpu.memory_space<semaphore_mem>>)
    %dma_start3A_35 = arith.constant 1 : i32
    %dma_start3A_36 = arith.constant 0 : i32
    %dma_start3A_37 = tpu.memref_slice %arg6[%dma_start3A_35, %dma_start3A_36] : memref<250x80xi32, #tpu.memory_space<vmem>> -> memref<1x80xi32, #tpu.memory_space<vmem>>
    %dma_start3A_38 = tpu.memref_squeeze %dma_start3A_37 : memref<1x80xi32, #tpu.memory_space<vmem>> -> memref<80xi32, #tpu.memory_space<vmem>>
    %dma_start3A_39 = arith.constant 0 : i32
    %dma_start3A_40 = arith.constant 0 : i32
    %dma_start3A_41 = tpu.memref_slice %arg2[%dma_start3A_39, %dma_start3A_40] : memref<10000x128xf32, #tpu.memory_space<hbm>> -> memref<10000x128xf32, #tpu.memory_space<hbm>>
    tpu.enqueue_indirect_dma source(%dma_start3A_41 : memref<10000x128xf32, #tpu.memory_space<hbm>>) target(%arg9 : memref<80x128xf32, #tpu.memory_space<vmem>>) offsets(%dma_start3A_38 : memref<80xi32, #tpu.memory_space<vmem>>) semaphore(%arg12 : memref<!tpu.dma_semaphore, #tpu.memory_space<semaphore_mem>>)
    %scan3A_42 = arith.constant 0 : i32
    %scan3A_43 = arith.constant 0 : i32
    %scan3A_44 = arith.constant 125 : i32
    %scan3A_45 = arith.addi %scan3A_43, %scan3A_44 : i32
    %scan3A_46 = arith.constant 1 : i32
    scf.for %scan3A_64 = %scan3A_43 to %scan3A_45 step %scan3A_46  : i32 {
      %mul3A_65 = arith.constant 2 : i32
      %mul3A_66 = arith.muli %scan3A_64, %mul3A_65 : i32
      %dma_wait3A_67 = arith.constant 0 : i32
      %dma_wait3A_68 = arith.constant 0 : i32
      %dma_wait3A_69 = tpu.memref_slice %arg2[%dma_wait3A_67, %dma_wait3A_68] : memref<10000x128xf32, #tpu.memory_space<hbm>> -> memref<80x128xf32, #tpu.memory_space<hbm>>
      %dma_wait3A_70 = arith.constant 0 : i32
      %dma_wait3A_71 = arith.constant 0 : i32
      %dma_wait3A_72 = tpu.memref_slice %arg2[%dma_wait3A_70, %dma_wait3A_71] : memref<10000x128xf32, #tpu.memory_space<hbm>> -> memref<80x128xf32, #tpu.memory_space<hbm>>
      tpu.wait_dma2 semaphore(%arg11 : memref<!tpu.dma_semaphore, #tpu.memory_space<semaphore_mem>>) src(%dma_wait3A_72 : memref<80x128xf32, #tpu.memory_space<hbm>>) dst(%arg8 : memref<80x128xf32, #tpu.memory_space<vmem>>)
      %dma_start3A_73 = arith.constant 0 : i32
      %dma_start3A_74 = tpu.memref_slice %arg7[%mul3A_66, %dma_start3A_73] : memref<250x80xi32, #tpu.memory_space<vmem>> -> memref<1x80xi32, #tpu.memory_space<vmem>>
      %dma_start3A_75 = tpu.memref_squeeze %dma_start3A_74 : memref<1x80xi32, #tpu.memory_space<vmem>> -> memref<80xi32, #tpu.memory_space<vmem>>
      %dma_start3A_76 = arith.constant 0 : i32
      %dma_start3A_77 = arith.constant 0 : i32
      %dma_start3A_78 = tpu.memref_slice %arg10[%dma_start3A_76, %dma_start3A_77] : memref<5184x128xf32, #tpu.memory_space<vmem_shared>> -> memref<5184x128xf32, #tpu.memory_space<vmem_shared>>
      tpu.enqueue_indirect_dma source(%arg8 : memref<80x128xf32, #tpu.memory_space<vmem>>) target(%dma_start3A_78 : memref<5184x128xf32, #tpu.memory_space<vmem_shared>>) offsets(%dma_start3A_75 : memref<80xi32, #tpu.memory_space<vmem>>) semaphore(%arg13 : memref<!tpu.dma_semaphore, #tpu.memory_space<semaphore_mem>>) {add = true}
      %add3A_79 = arith.constant 2 : i32
      %add3A_80 = arith.addi %mul3A_66, %add3A_79 : i32
      %lt3A = arith.constant 250 : i32
      %lt3A_81 = arith.cmpi slt, %add3A_80, %lt3A : i32
      %convert_element_type3A_82 = arith.extui %lt3A_81 : i1 to i32
      %cond3A_83 = arith.constant 0 : i32
      %cond3A_84 = arith.cmpi ne, %convert_element_type3A_82, %cond3A_83 : i32
      scf.if %cond3A_84 {
        %dma_wait3A_106 = arith.constant 0 : i32
        %dma_wait3A_107 = arith.constant 0 : i32
        %dma_wait3A_108 = tpu.memref_slice %arg2[%dma_wait3A_106, %dma_wait3A_107] : memref<10000x128xf32, #tpu.memory_space<hbm>> -> memref<80x128xf32, #tpu.memory_space<hbm>>
        %dma_wait3A_109 = arith.constant 0 : i32
        %dma_wait3A_110 = arith.constant 0 : i32
        %dma_wait3A_111 = tpu.memref_slice %arg2[%dma_wait3A_109, %dma_wait3A_110] : memref<10000x128xf32, #tpu.memory_space<hbm>> -> memref<80x128xf32, #tpu.memory_space<hbm>>
        tpu.wait_dma2 semaphore(%arg13 : memref<!tpu.dma_semaphore, #tpu.memory_space<semaphore_mem>>) src(%dma_wait3A_111 : memref<80x128xf32, #tpu.memory_space<hbm>>) dst(%arg8 : memref<80x128xf32, #tpu.memory_space<vmem>>)
        %add3A_112 = arith.constant 2 : i32
        %add3A_113 = arith.addi %mul3A_66, %add3A_112 : i32
        %dma_start3A_114 = arith.constant 0 : i32
        %dma_start3A_115 = tpu.memref_slice %arg6[%add3A_113, %dma_start3A_114] : memref<250x80xi32, #tpu.memory_space<vmem>> -> memref<1x80xi32, #tpu.memory_space<vmem>>
        %dma_start3A_116 = tpu.memref_squeeze %dma_start3A_115 : memref<1x80xi32, #tpu.memory_space<vmem>> -> memref<80xi32, #tpu.memory_space<vmem>>
        %dma_start3A_117 = arith.constant 0 : i32
        %dma_start3A_118 = arith.constant 0 : i32
        %dma_start3A_119 = tpu.memref_slice %arg2[%dma_start3A_117, %dma_start3A_118] : memref<10000x128xf32, #tpu.memory_space<hbm>> -> memref<10000x128xf32, #tpu.memory_space<hbm>>
        tpu.enqueue_indirect_dma source(%dma_start3A_119 : memref<10000x128xf32, #tpu.memory_space<hbm>>) target(%arg8 : memref<80x128xf32, #tpu.memory_space<vmem>>) offsets(%dma_start3A_116 : memref<80xi32, #tpu.memory_space<vmem>>) semaphore(%arg11 : memref<!tpu.dma_semaphore, #tpu.memory_space<semaphore_mem>>)
      } else {
      }
      %dma_wait3A_85 = arith.constant 0 : i32
      %dma_wait3A_86 = arith.constant 0 : i32
      %dma_wait3A_87 = tpu.memref_slice %arg2[%dma_wait3A_85, %dma_wait3A_86] : memref<10000x128xf32, #tpu.memory_space<hbm>> -> memref<80x128xf32, #tpu.memory_space<hbm>>
      %dma_wait3A_88 = arith.constant 0 : i32
      %dma_wait3A_89 = arith.constant 0 : i32
      %dma_wait3A_90 = tpu.memref_slice %arg2[%dma_wait3A_88, %dma_wait3A_89] : memref<10000x128xf32, #tpu.memory_space<hbm>> -> memref<80x128xf32, #tpu.memory_space<hbm>>
      tpu.wait_dma2 semaphore(%arg12 : memref<!tpu.dma_semaphore, #tpu.memory_space<semaphore_mem>>) src(%dma_wait3A_90 : memref<80x128xf32, #tpu.memory_space<hbm>>) dst(%arg9 : memref<80x128xf32, #tpu.memory_space<vmem>>)
      %add3A_91 = arith.constant 1 : i32
      %add3A_92 = arith.addi %mul3A_66, %add3A_91 : i32
      %dma_start3A_93 = arith.constant 0 : i32
      %dma_start3A_94 = tpu.memref_slice %arg7[%add3A_92, %dma_start3A_93] : memref<250x80xi32, #tpu.memory_space<vmem>> -> memref<1x80xi32, #tpu.memory_space<vmem>>
      %dma_start3A_95 = tpu.memref_squeeze %dma_start3A_94 : memref<1x80xi32, #tpu.memory_space<vmem>> -> memref<80xi32, #tpu.memory_space<vmem>>
      %dma_start3A_96 = arith.constant 0 : i32
      %dma_start3A_97 = arith.constant 0 : i32
      %dma_start3A_98 = tpu.memref_slice %arg10[%dma_start3A_96, %dma_start3A_97] : memref<5184x128xf32, #tpu.memory_space<vmem_shared>> -> memref<5184x128xf32, #tpu.memory_space<vmem_shared>>
      tpu.enqueue_indirect_dma source(%arg9 : memref<80x128xf32, #tpu.memory_space<vmem>>) target(%dma_start3A_98 : memref<5184x128xf32, #tpu.memory_space<vmem_shared>>) offsets(%dma_start3A_95 : memref<80xi32, #tpu.memory_space<vmem>>) semaphore(%arg14 : memref<!tpu.dma_semaphore, #tpu.memory_space<semaphore_mem>>) {add = true}
      %add3A_99 = arith.constant 3 : i32
      %add3A_100 = arith.addi %mul3A_66, %add3A_99 : i32
      %lt3A_101 = arith.constant 250 : i32
      %lt3A_102 = arith.cmpi slt, %add3A_100, %lt3A_101 : i32
      %convert_element_type3A_103 = arith.extui %lt3A_102 : i1 to i32
      %cond3A_104 = arith.constant 0 : i32
      %cond3A_105 = arith.cmpi ne, %convert_element_type3A_103, %cond3A_104 : i32
      scf.if %cond3A_105 {
        %dma_wait3A_106 = arith.constant 0 : i32
        %dma_wait3A_107 = arith.constant 0 : i32
        %dma_wait3A_108 = tpu.memref_slice %arg2[%dma_wait3A_106, %dma_wait3A_107] : memref<10000x128xf32, #tpu.memory_space<hbm>> -> memref<80x128xf32, #tpu.memory_space<hbm>>
        %dma_wait3A_109 = arith.constant 0 : i32
        %dma_wait3A_110 = arith.constant 0 : i32
        %dma_wait3A_111 = tpu.memref_slice %arg2[%dma_wait3A_109, %dma_wait3A_110] : memref<10000x128xf32, #tpu.memory_space<hbm>> -> memref<80x128xf32, #tpu.memory_space<hbm>>
        tpu.wait_dma2 semaphore(%arg14 : memref<!tpu.dma_semaphore, #tpu.memory_space<semaphore_mem>>) src(%dma_wait3A_111 : memref<80x128xf32, #tpu.memory_space<hbm>>) dst(%arg9 : memref<80x128xf32, #tpu.memory_space<vmem>>)
        %add3A_112 = arith.constant 3 : i32
        %add3A_113 = arith.addi %mul3A_66, %add3A_112 : i32
        %dma_start3A_114 = arith.constant 0 : i32
        %dma_start3A_115 = tpu.memref_slice %arg6[%add3A_113, %dma_start3A_114] : memref<250x80xi32, #tpu.memory_space<vmem>> -> memref<1x80xi32, #tpu.memory_space<vmem>>
        %dma_start3A_116 = tpu.memref_squeeze %dma_start3A_115 : memref<1x80xi32, #tpu.memory_space<vmem>> -> memref<80xi32, #tpu.memory_space<vmem>>
        %dma_start3A_117 = arith.constant 0 : i32
        %dma_start3A_118 = arith.constant 0 : i32
        %dma_start3A_119 = tpu.memref_slice %arg2[%dma_start3A_117, %dma_start3A_118] : memref<10000x128xf32, #tpu.memory_space<hbm>> -> memref<10000x128xf32, #tpu.memory_space<hbm>>
        tpu.enqueue_indirect_dma source(%dma_start3A_119 : memref<10000x128xf32, #tpu.memory_space<hbm>>) target(%arg9 : memref<80x128xf32, #tpu.memory_space<vmem>>) offsets(%dma_start3A_116 : memref<80xi32, #tpu.memory_space<vmem>>) semaphore(%arg12 : memref<!tpu.dma_semaphore, #tpu.memory_space<semaphore_mem>>)
      } else {
      }
    }
    %scan3A_47 = arith.constant 125 : i32
    %dma_wait3A = arith.constant 0 : i32
    %dma_wait3A_48 = arith.constant 0 : i32
    %dma_wait3A_49 = tpu.memref_slice %arg2[%dma_wait3A, %dma_wait3A_48] : memref<10000x128xf32, #tpu.memory_space<hbm>> -> memref<80x128xf32, #tpu.memory_space<hbm>>
    %dma_wait3A_50 = arith.constant 0 : i32
    %dma_wait3A_51 = arith.constant 0 : i32
    %dma_wait3A_52 = tpu.memref_slice %arg2[%dma_wait3A_50, %dma_wait3A_51] : memref<10000x128xf32, #tpu.memory_space<hbm>> -> memref<80x128xf32, #tpu.memory_space<hbm>>
    tpu.wait_dma2 semaphore(%arg13 : memref<!tpu.dma_semaphore, #tpu.memory_space<semaphore_mem>>) src(%dma_wait3A_52 : memref<80x128xf32, #tpu.memory_space<hbm>>) dst(%arg8 : memref<80x128xf32, #tpu.memory_space<vmem>>)
    %dma_wait3A_53 = arith.constant 0 : i32
    %dma_wait3A_54 = arith.constant 0 : i32
    %dma_wait3A_55 = tpu.memref_slice %arg2[%dma_wait3A_53, %dma_wait3A_54] : memref<10000x128xf32, #tpu.memory_space<hbm>> -> memref<80x128xf32, #tpu.memory_space<hbm>>
    %dma_wait3A_56 = arith.constant 0 : i32
    %dma_wait3A_57 = arith.constant 0 : i32
    %dma_wait3A_58 = tpu.memref_slice %arg2[%dma_wait3A_56, %dma_wait3A_57] : memref<10000x128xf32, #tpu.memory_space<hbm>> -> memref<80x128xf32, #tpu.memory_space<hbm>>
    tpu.wait_dma2 semaphore(%arg14 : memref<!tpu.dma_semaphore, #tpu.memory_space<semaphore_mem>>) src(%dma_wait3A_58 : memref<80x128xf32, #tpu.memory_space<hbm>>) dst(%arg9 : memref<80x128xf32, #tpu.memory_space<vmem>>)
    %barrier3A_59 = arith.constant 0 : index
    tpu.barrier barrier_id(%barrier3A_59)
    %mul3A_60 = arith.constant 320 : i32
    %mul3A_61 = arith.muli %arg1, %mul3A_60 : i32
    %mul3A_62 = arith.constant 320 : i32
    %mul3A_63 = arith.muli %arg1, %mul3A_62 : i32
    "tpu.region"() ({
      %run_scoped3A = tpu.sem_alloc : memref<!tpu.dma_semaphore, #tpu.memory_space<semaphore_mem>>
      %dma_start3A_64 = arith.constant 0 : i32
      %dma_start3A_65 = tpu.memref_slice %arg5[%arg0, %mul3A_63, %dma_start3A_64] : memref<2x5120x128xf32, #tpu.memory_space<hbm>> -> memref<1x320x128xf32, #tpu.memory_space<hbm>>
      %dma_start3A_66 = tpu.memref_squeeze %dma_start3A_65 : memref<1x320x128xf32, #tpu.memory_space<hbm>> -> memref<320x128xf32, #tpu.memory_space<hbm>>
      %dma_start3A_67 = arith.constant 0 : i32
      %dma_start3A_68 = tpu.memref_slice %arg10[%mul3A_61, %dma_start3A_67] : memref<5184x128xf32, #tpu.memory_space<vmem_shared>> -> memref<320x128xf32, #tpu.memory_space<vmem_shared>>
      tpu.enqueue_dma source(%dma_start3A_68 : memref<320x128xf32, #tpu.memory_space<vmem_shared>>) target(%dma_start3A_66 : memref<320x128xf32, #tpu.memory_space<hbm>>) target_semaphore(%run_scoped3A : memref<!tpu.dma_semaphore, #tpu.memory_space<semaphore_mem>>)
      %dma_wait3A_69 = arith.constant 0 : i32
      %dma_wait3A_70 = tpu.memref_slice %arg5[%arg0, %mul3A_63, %dma_wait3A_69] : memref<2x5120x128xf32, #tpu.memory_space<hbm>> -> memref<1x320x128xf32, #tpu.memory_space<hbm>>
      %dma_wait3A_71 = tpu.memref_squeeze %dma_wait3A_70 : memref<1x320x128xf32, #tpu.memory_space<hbm>> -> memref<320x128xf32, #tpu.memory_space<hbm>>
      %dma_wait3A_72 = arith.constant 0 : i32
      %dma_wait3A_73 = tpu.memref_slice %arg10[%mul3A_61, %dma_wait3A_72] : memref<5184x128xf32, #tpu.memory_space<vmem_shared>> -> memref<320x128xf32, #tpu.memory_space<vmem_shared>>
      tpu.wait_dma2 semaphore(%run_scoped3A : memref<!tpu.dma_semaphore, #tpu.memory_space<semaphore_mem>>) src(%dma_wait3A_73 : memref<320x128xf32, #tpu.memory_space<vmem_shared>>) dst(%dma_wait3A_71 : memref<320x128xf32, #tpu.memory_space<hbm>>)
      tpu.yield
    }) : () -> ()
    return
  }
}

module attributes {stable_mosaic.version = 14 : i64} {
  func.func @_layer_body(%arg0: i32, %arg1: memref<1000x128xf32, #tpu.memory_space<vmem>>, %arg2: memref<1000x128xf32, #tpu.memory_space<vmem>>, %arg3: memref<1x1000x1xi32, #tpu.memory_space<vmem>>, %arg4: memref<128x128xf32, #tpu.memory_space<vmem>>, %arg5: memref<1x128xf32, #tpu.memory_space<vmem>>, %arg6: memref<128x128xf32, #tpu.memory_space<vmem>>, %arg7: memref<1000x128xf32, #tpu.memory_space<vmem>>, %arg8: memref<64x128xf32, #tpu.memory_space<vmem>>) attributes {dimension_semantics = [#tpu.dimension_semantics<arbitrary>], iteration_bounds = array<i64: 10>, scalar_prefetch = 0 : i64, scratch_operands = 0 : i64, tpu.core_type = #tpu.core_type<tc>, window_params = [{transform_indices = @transform_0, window_bounds = array<i64: 1000, 128>}, {transform_indices = @transform_1, window_bounds = array<i64: 1000, 128>}, {transform_indices = @transform_2, window_bounds = array<i64: 1, 1000, 1>}, {pipeline_mode = #tpu.pipeline_mode<synchronous>, transform_indices = @transform_3, window_bounds = array<i64: 128, 128>}, {pipeline_mode = #tpu.pipeline_mode<synchronous>, transform_indices = @transform_4, window_bounds = array<i64: 1, 128>}, {pipeline_mode = #tpu.pipeline_mode<synchronous>, transform_indices = @transform_5, window_bounds = array<i64: 128, 128>}, {transform_indices = @transform_6, window_bounds = array<i64: 1000, 128>}, {pipeline_mode = #tpu.pipeline_mode<synchronous>, transform_indices = @transform_7, window_bounds = array<i64: 64, 128>}]} {
    %get3A = arith.constant 0 : index
    %get3A_0 = arith.constant 0 : index
    %get3A_1 = vector.load %arg1[%get3A, %get3A_0] : memref<1000x128xf32, #tpu.memory_space<vmem>>, vector<1000x128xf32>
    %get3A_2 = arith.constant 0 : index
    %get3A_3 = arith.constant 0 : index
    %get3A_4 = vector.load %arg4[%get3A_2, %get3A_3] : memref<128x128xf32, #tpu.memory_space<vmem>>, vector<128x128xf32>
    %dot_general3A = arith.constant dense<0.000000e+00> : vector<1000x128xf32>
    %dot_general3A_5 = tpu.matmul %get3A_1, %get3A_4, %dot_general3A {dimension_numbers = #tpu.dot_dimension_numbers<[1], [1], [0], [0], [0, 0, 1, 0], [], []>, transpose_lhs_hint = false} : vector<1000x128xf32>, vector<128x128xf32>, vector<1000x128xf32> -> vector<1000x128xf32>
    %get3A_6 = arith.constant 0 : index
    %get3A_7 = arith.constant 0 : index
    %get3A_8 = vector.load %arg5[%get3A_6, %get3A_7] : memref<1x128xf32, #tpu.memory_space<vmem>>, vector<1x128xf32>
    %add3A = vector.broadcast %get3A_8 : vector<1x128xf32> to vector<1000x128xf32>
    %add3A_9 = arith.addf %dot_general3A_5, %add3A : vector<1000x128xf32>
    %get3A_10 = arith.constant 0 : index
    %get3A_11 = arith.constant 0 : index
    %get3A_12 = vector.load %arg2[%get3A_10, %get3A_11] : memref<1000x128xf32, #tpu.memory_space<vmem>>, vector<1000x128xf32>
    %get3A_13 = arith.constant 0 : index
    %get3A_14 = arith.constant 0 : index
    %get3A_15 = vector.load %arg6[%get3A_13, %get3A_14] : memref<128x128xf32, #tpu.memory_space<vmem>>, vector<128x128xf32>
    %dot_general3A_16 = arith.constant dense<0.000000e+00> : vector<1000x128xf32>
    %dot_general3A_17 = tpu.matmul %get3A_12, %get3A_15, %dot_general3A_16 {dimension_numbers = #tpu.dot_dimension_numbers<[1], [1], [0], [0], [0, 0, 1, 0], [], []>, transpose_lhs_hint = false} : vector<1000x128xf32>, vector<128x128xf32>, vector<1000x128xf32> -> vector<1000x128xf32>
    %add3A_18 = arith.addf %add3A_9, %dot_general3A_17 : vector<1000x128xf32>
    %reduce_sum3A = arith.constant dense<0.000000e+00> : vector<1000xf32>
    %reduce_sum3A_19 = vector.multi_reduction <add>, %add3A_18, %reduce_sum3A [1] : vector<1000x128xf32> to vector<1000xf32>
    %broadcast_in_dim3A = vector.shape_cast %reduce_sum3A_19 : vector<1000xf32> to vector<1000x1xf32>
    %div3A = arith.constant 1.280000e+02 : f32
    %div3A_20 = vector.broadcast %div3A : f32 to vector<1000x1xf32>
    %div3A_21 = arith.divf %broadcast_in_dim3A, %div3A_20 : vector<1000x1xf32>
    %sub3A = vector.broadcast %div3A_21 : vector<1000x1xf32> to vector<1000x128xf32>
    %sub3A_22 = arith.subf %add3A_18, %sub3A : vector<1000x128xf32>
    %integer_pow3A = arith.mulf %sub3A_22, %sub3A_22 : vector<1000x128xf32>
    %reduce_sum3A_23 = arith.constant dense<0.000000e+00> : vector<1000xf32>
    %reduce_sum3A_24 = vector.multi_reduction <add>, %integer_pow3A, %reduce_sum3A_23 [1] : vector<1000x128xf32> to vector<1000xf32>
    %broadcast_in_dim3A_25 = vector.shape_cast %reduce_sum3A_24 : vector<1000xf32> to vector<1000x1xf32>
    %div3A_26 = arith.constant 1.280000e+02 : f32
    %div3A_27 = vector.broadcast %div3A_26 : f32 to vector<1000x1xf32>
    %div3A_28 = arith.divf %broadcast_in_dim3A_25, %div3A_27 : vector<1000x1xf32>
    %sub3A_29 = vector.broadcast %div3A_21 : vector<1000x1xf32> to vector<1000x128xf32>
    %sub3A_30 = arith.subf %add3A_18, %sub3A_29 : vector<1000x128xf32>
    %add3A_31 = arith.constant 9.99999974E-6 : f32
    %add3A_32 = vector.broadcast %add3A_31 : f32 to vector<1000x1xf32>
    %add3A_33 = arith.addf %div3A_28, %add3A_32 : vector<1000x1xf32>
    %rsqrt3A = math.rsqrt %add3A_33 : vector<1000x1xf32>
    %mul3A = vector.broadcast %rsqrt3A : vector<1000x1xf32> to vector<1000x128xf32>
    %mul3A_34 = arith.mulf %sub3A_30, %mul3A : vector<1000x128xf32>
    %max3A = arith.constant 0.000000e+00 : f32
    %max3A_35 = vector.broadcast %max3A : f32 to vector<1000x128xf32>
    %max3A_36 = arith.maximumf %mul3A_34, %max3A_35 : vector<1000x128xf32>
    %swap3A = arith.constant 0 : index
    %swap3A_37 = arith.constant 0 : index
    %swap3A_38 = vector.load %arg7[%swap3A, %swap3A_37] : memref<1000x128xf32, #tpu.memory_space<vmem>>, vector<1000x128xf32>
    tpu.vector_store %arg7[%swap3A, %swap3A_37], %max3A_36 {strides = array<i32>} : memref<1000x128xf32, #tpu.memory_space<vmem>>, vector<1000x128xf32>,
    %get3A_39 = arith.constant 0 : index
    %get3A_40 = arith.constant 0 : index
    %get3A_41 = arith.constant 0 : index
    %get3A_42 = vector.load %arg3[%get3A_39, %get3A_40, %get3A_41] : memref<1x1000x1xi32, #tpu.memory_space<vmem>>, vector<1x1000x1xi32>
    %get3A_43 = vector.shape_cast %get3A_42 : vector<1x1000x1xi32> to vector<1000x1xi32>
    %eq3A = arith.constant 0 : i32
    %eq3A_44 = arith.cmpi eq, %arg0, %eq3A : i32
    %convert_element_type3A = arith.extui %eq3A_44 : i1 to i32
    %cond3A = arith.constant 0 : i32
    %cond3A_45 = arith.cmpi ne, %convert_element_type3A, %cond3A : i32
    scf.if %cond3A_45 {
      %broadcast_in_dim3A_64 = arith.constant 0xFF800000 : f32
      %broadcast_in_dim3A_65 = vector.broadcast %broadcast_in_dim3A_64 : f32 to vector<64x128xf32>
      %swap3A_66 = arith.constant 0 : index
      %swap3A_67 = arith.constant 0 : index
      %swap3A_68 = vector.load %arg8[%swap3A_66, %swap3A_67] : memref<64x128xf32, #tpu.memory_space<vmem>>, vector<64x128xf32>
      tpu.vector_store %arg8[%swap3A_66, %swap3A_67], %broadcast_in_dim3A_65 {strides = array<i32>} : memref<64x128xf32, #tpu.memory_space<vmem>>, vector<64x128xf32>,
    } else {
    }
    %reduce_min3A = vector.shape_cast %get3A_43 : vector<1000x1xi32> to vector<1x1000x1xi32>
    %reduce_min3A_46 = arith.constant dense<2147483647> : vector<1xi32>
    %reduce_min3A_47 = vector.multi_reduction <minsi>, %reduce_min3A, %reduce_min3A_46 [1, 2] : vector<1x1000x1xi32> to vector<1xi32>
    %reduce_min3A_48 = vector.shape_cast %reduce_min3A_47 : vector<1xi32> to vector<1x1x1xi32>
    %reduce_min3A_49 = vector.extract %reduce_min3A_48[0, 0, 0] : i32 from vector<1x1x1xi32>
    %reduce_max3A = vector.shape_cast %get3A_43 : vector<1000x1xi32> to vector<1x1000x1xi32>
    %reduce_max3A_50 = arith.constant dense<-2147483648> : vector<1xi32>
    %reduce_max3A_51 = vector.multi_reduction <maxsi>, %reduce_max3A, %reduce_max3A_50 [1, 2] : vector<1x1000x1xi32> to vector<1xi32>
    %reduce_max3A_52 = vector.shape_cast %reduce_max3A_51 : vector<1xi32> to vector<1x1x1xi32>
    %reduce_max3A_53 = vector.extract %reduce_max3A_52[0, 0, 0] : i32 from vector<1x1x1xi32>
    %add3A_54 = arith.constant 1 : i32
    %add3A_55 = arith.addi %reduce_max3A_53, %add3A_54 : i32
    %while3A = arith.constant 0 : i32
    %while3A_56 = arith.subi %add3A_55, %reduce_min3A_49 : i32
    %while3A_57 = arith.addi %reduce_min3A_49, %while3A_56 : i32
    %while3A_58 = arith.constant 1 : i32
    %while3A_59 = arith.divsi %while3A_56, %while3A_58 : i32
    %while3A_60 = arith.muli %while3A_59, %while3A_58 : i32
    %while3A_61 = arith.addi %reduce_min3A_49, %while3A_60 : i32
    %while3A_62 = arith.constant 1 : i32
    scf.for %while3A_64 = %reduce_min3A_49 to %while3A_61 step %while3A_62  : i32 {
      %eq3A_65 = vector.broadcast %while3A_64 : i32 to vector<1000x1xi32>
      %eq3A_66 = arith.cmpi eq, %get3A_43, %eq3A_65 : vector<1000x1xi32>
      %jit3A = arith.constant 0xFF800000 : f32
      %broadcast_in_dim3A_67 = vector.shape_cast %eq3A_66 : vector<1000x1xi1> to vector<1000x1xi1>
      %broadcast_in_dim3A_68 = vector.broadcast %broadcast_in_dim3A_67 : vector<1000x1xi1> to vector<1000x128xi1>
      %broadcast_in_dim3A_69 = vector.broadcast %jit3A : f32 to vector<1000x128xf32>
      %select_n3A = arith.select %broadcast_in_dim3A_68, %max3A_36, %broadcast_in_dim3A_69 : vector<1000x128xi1>, vector<1000x128xf32>
      %reduce_max3A_70 = arith.constant dense<0xFF800000> : vector<128xf32>
      %reduce_max3A_71 = vector.multi_reduction <maximumf>, %select_n3A, %reduce_max3A_70 [0] : vector<1000x128xf32> to vector<128xf32>
      %broadcast_in_dim3A_72 = vector.shape_cast %reduce_max3A_71 : vector<128xf32> to vector<1x128xf32>
      %get3A_73 = arith.index_cast %while3A_64 : i32 to index
      %get3A_74 = arith.constant 0 : index
      %get3A_75 = vector.load %arg8[%get3A_73, %get3A_74] : memref<64x128xf32, #tpu.memory_space<vmem>>, vector<1x128xf32>
      %max3A_76 = arith.maximumf %get3A_75, %broadcast_in_dim3A_72 : vector<1x128xf32>
      %swap3A_77 = arith.index_cast %while3A_64 : i32 to index
      %swap3A_78 = arith.constant 0 : index
      %swap3A_79 = vector.load %arg8[%swap3A_77, %swap3A_78] : memref<64x128xf32, #tpu.memory_space<vmem>>, vector<1x128xf32>
      tpu.vector_store %arg8[%swap3A_77, %swap3A_78], %max3A_76 {strides = array<i32>} : memref<64x128xf32, #tpu.memory_space<vmem>>, vector<1x128xf32>,
    }
    %while3A_63 = arith.constant 1 : i32
    scf.for %while3A_64 = %while3A_61 to %while3A_57 step %while3A_63  : i32 {
      %eq3A_65 = vector.broadcast %while3A_64 : i32 to vector<1000x1xi32>
      %eq3A_66 = arith.cmpi eq, %get3A_43, %eq3A_65 : vector<1000x1xi32>
      %jit3A = arith.constant 0xFF800000 : f32
      %broadcast_in_dim3A_67 = vector.shape_cast %eq3A_66 : vector<1000x1xi1> to vector<1000x1xi1>
      %broadcast_in_dim3A_68 = vector.broadcast %broadcast_in_dim3A_67 : vector<1000x1xi1> to vector<1000x128xi1>
      %broadcast_in_dim3A_69 = vector.broadcast %jit3A : f32 to vector<1000x128xf32>
      %select_n3A = arith.select %broadcast_in_dim3A_68, %max3A_36, %broadcast_in_dim3A_69 : vector<1000x128xi1>, vector<1000x128xf32>
      %reduce_max3A_70 = arith.constant dense<0xFF800000> : vector<128xf32>
      %reduce_max3A_71 = vector.multi_reduction <maximumf>, %select_n3A, %reduce_max3A_70 [0] : vector<1000x128xf32> to vector<128xf32>
      %broadcast_in_dim3A_72 = vector.shape_cast %reduce_max3A_71 : vector<128xf32> to vector<1x128xf32>
      %get3A_73 = arith.index_cast %while3A_64 : i32 to index
      %get3A_74 = arith.constant 0 : index
      %get3A_75 = vector.load %arg8[%get3A_73, %get3A_74] : memref<64x128xf32, #tpu.memory_space<vmem>>, vector<1x128xf32>
      %max3A_76 = arith.maximumf %get3A_75, %broadcast_in_dim3A_72 : vector<1x128xf32>
      %swap3A_77 = arith.index_cast %while3A_64 : i32 to index
      %swap3A_78 = arith.constant 0 : index
      %swap3A_79 = vector.load %arg8[%swap3A_77, %swap3A_78] : memref<64x128xf32, #tpu.memory_space<vmem>>, vector<1x128xf32>
      tpu.vector_store %arg8[%swap3A_77, %swap3A_78], %max3A_76 {strides = array<i32>} : memref<64x128xf32, #tpu.memory_space<vmem>>, vector<1x128xf32>,
    }
    return
  }
  func.func @transform_0(%arg0: i32) -> (i32, i32) {
    %c0_i32 = arith.constant 0 : i32
    %c0_i32_0 = arith.constant 0 : i32
    return %arg0, %c0_i32 : i32, i32
  }
  func.func @transform_1(%arg0: i32) -> (i32, i32) {
    %c0_i32 = arith.constant 0 : i32
    %c0_i32_0 = arith.constant 0 : i32
    return %arg0, %c0_i32 : i32, i32
  }
  func.func @transform_2(%arg0: i32) -> (i32, i32, i32) {
    %c0_i32 = arith.constant 0 : i32
    %c0_i32_0 = arith.constant 0 : i32
    %c0_i32_1 = arith.constant 0 : i32
    return %arg0, %c0_i32, %c0_i32_0 : i32, i32, i32
  }
  func.func @transform_3(%arg0: i32) -> (i32, i32) {
    %c0_i32 = arith.constant 0 : i32
    %c0_i32_0 = arith.constant 0 : i32
    %c0_i32_1 = arith.constant 0 : i32
    return %c0_i32, %c0_i32_0 : i32, i32
  }
  func.func @transform_4(%arg0: i32) -> (i32, i32) {
    %c0_i32 = arith.constant 0 : i32
    %c0_i32_0 = arith.constant 0 : i32
    %c0_i32_1 = arith.constant 0 : i32
    return %c0_i32, %c0_i32_0 : i32, i32
  }
  func.func @transform_5(%arg0: i32) -> (i32, i32) {
    %c0_i32 = arith.constant 0 : i32
    %c0_i32_0 = arith.constant 0 : i32
    %c0_i32_1 = arith.constant 0 : i32
    return %c0_i32, %c0_i32_0 : i32, i32
  }
  func.func @transform_6(%arg0: i32) -> (i32, i32) {
    %c0_i32 = arith.constant 0 : i32
    %c0_i32_0 = arith.constant 0 : i32
    return %arg0, %c0_i32 : i32, i32
  }
  func.func @transform_7(%arg0: i32) -> (i32, i32) {
    %c0_i32 = arith.constant 0 : i32
    %c0_i32_0 = arith.constant 0 : i32
    %c0_i32_1 = arith.constant 0 : i32
    return %c0_i32, %c0_i32_0 : i32, i32
  }
}

module attributes {stable_mosaic.version = 14 : i64} {
  func.func @_mlp_body(%arg0: memref<64x128xf32, #tpu.memory_space<vmem>>, %arg1: memref<64x128xf32, #tpu.memory_space<vmem>>, %arg2: memref<64x128xf32, #tpu.memory_space<vmem>>, %arg3: memref<256x384xf32, #tpu.memory_space<vmem>>, %arg4: memref<1x256xf32, #tpu.memory_space<vmem>>, %arg5: memref<64x256xf32, #tpu.memory_space<vmem>>, %arg6: memref<1x64xf32, #tpu.memory_space<vmem>>, %arg7: memref<64x64xf32, #tpu.memory_space<vmem>>) attributes {dimension_semantics = [], scalar_prefetch = 0 : i64, scratch_operands = 0 : i64, tpu.core_type = #tpu.core_type<tc>} {
    %get3A = arith.constant 0 : index
    %get3A_0 = arith.constant 0 : index
    %get3A_1 = vector.load %arg0[%get3A, %get3A_0] : memref<64x128xf32, #tpu.memory_space<vmem>>, vector<64x128xf32>
    %get3A_2 = arith.constant 0 : index
    %get3A_3 = arith.constant 0 : index
    %get3A_4 = vector.load %arg1[%get3A_2, %get3A_3] : memref<64x128xf32, #tpu.memory_space<vmem>>, vector<64x128xf32>
    %get3A_5 = arith.constant 0 : index
    %get3A_6 = arith.constant 0 : index
    %get3A_7 = vector.load %arg2[%get3A_5, %get3A_6] : memref<64x128xf32, #tpu.memory_space<vmem>>, vector<64x128xf32>
    %concatenate3A = tpu.concatenate %get3A_1, %get3A_4, %get3A_7 in 1 : vector<64x128xf32>, vector<64x128xf32>, vector<64x128xf32> -> vector<64x384xf32>
    %get3A_8 = arith.constant 0 : index
    %get3A_9 = arith.constant 0 : index
    %get3A_10 = vector.load %arg3[%get3A_8, %get3A_9] : memref<256x384xf32, #tpu.memory_space<vmem>>, vector<256x384xf32>
    %dot_general3A = arith.constant dense<0.000000e+00> : vector<64x256xf32>
    %dot_general3A_11 = tpu.matmul %concatenate3A, %get3A_10, %dot_general3A {dimension_numbers = #tpu.dot_dimension_numbers<[1], [1], [0], [0], [0, 0, 1, 0], [], []>, transpose_lhs_hint = false} : vector<64x384xf32>, vector<256x384xf32>, vector<64x256xf32> -> vector<64x256xf32>
    %get3A_12 = arith.constant 0 : index
    %get3A_13 = arith.constant 0 : index
    %get3A_14 = vector.load %arg4[%get3A_12, %get3A_13] : memref<1x256xf32, #tpu.memory_space<vmem>>, vector<1x256xf32>
    %add3A = vector.broadcast %get3A_14 : vector<1x256xf32> to vector<64x256xf32>
    %add3A_15 = arith.addf %dot_general3A_11, %add3A : vector<64x256xf32>
    %max3A = arith.constant 0.000000e+00 : f32
    %max3A_16 = vector.broadcast %max3A : f32 to vector<64x256xf32>
    %max3A_17 = arith.maximumf %add3A_15, %max3A_16 : vector<64x256xf32>
    %get3A_18 = arith.constant 0 : index
    %get3A_19 = arith.constant 0 : index
    %get3A_20 = vector.load %arg5[%get3A_18, %get3A_19] : memref<64x256xf32, #tpu.memory_space<vmem>>, vector<64x256xf32>
    %dot_general3A_21 = arith.constant dense<0.000000e+00> : vector<64x64xf32>
    %dot_general3A_22 = tpu.matmul %max3A_17, %get3A_20, %dot_general3A_21 {dimension_numbers = #tpu.dot_dimension_numbers<[1], [1], [0], [0], [0, 0, 1, 0], [], []>, transpose_lhs_hint = false} : vector<64x256xf32>, vector<64x256xf32>, vector<64x64xf32> -> vector<64x64xf32>
    %get3A_23 = arith.constant 0 : index
    %get3A_24 = arith.constant 0 : index
    %get3A_25 = vector.load %arg6[%get3A_23, %get3A_24] : memref<1x64xf32, #tpu.memory_space<vmem>>, vector<1x64xf32>
    %add3A_26 = vector.broadcast %get3A_25 : vector<1x64xf32> to vector<64x64xf32>
    %add3A_27 = arith.addf %dot_general3A_22, %add3A_26 : vector<64x64xf32>
    %mul3A = arith.mulf %add3A_27, %add3A_27 : vector<64x64xf32>
    %reduce_sum3A = arith.constant dense<0.000000e+00> : vector<64xf32>
    %reduce_sum3A_28 = vector.multi_reduction <add>, %mul3A, %reduce_sum3A [1] : vector<64x64xf32> to vector<64xf32>
    %broadcast_in_dim3A = vector.shape_cast %reduce_sum3A_28 : vector<64xf32> to vector<64x1xf32>
    %sqrt3A = math.sqrt %broadcast_in_dim3A : vector<64x1xf32>
    %max3A_29 = arith.constant 9.99999996E-13 : f32
    %max3A_30 = vector.broadcast %max3A_29 : f32 to vector<64x1xf32>
    %max3A_31 = arith.maximumf %sqrt3A, %max3A_30 : vector<64x1xf32>
    %div3A = vector.broadcast %max3A_31 : vector<64x1xf32> to vector<64x64xf32>
    %div3A_32 = arith.divf %add3A_27, %div3A : vector<64x64xf32>
    %swap3A = arith.constant 0 : index
    %swap3A_33 = arith.constant 0 : index
    %swap3A_34 = vector.load %arg7[%swap3A, %swap3A_33] : memref<64x64xf32, #tpu.memory_space<vmem>>, vector<64x64xf32>
    tpu.vector_store %arg7[%swap3A, %swap3A_33], %div3A_32 {strides = array<i32>} : memref<64x64xf32, #tpu.memory_space<vmem>>, vector<64x64xf32>,
    return
  }
}

</mosaic_0001>

<sc_bundles>
// kernel: closed_call.12.cloned.1.call-start
scs
__scs_entry_jumppad:
0x0: {  	(pc) =	sbr.rel $0x88, $3  }
0x1: {  	(tag) =	ssettag $0x0;
	lr =	simm.s32 $0x1  }
0x2: {  	[smem:$0x3F91] =	sst lr;
	_ =	strace $0xD0000000  }
0x3: {  	_ = 	snop  }
0x4: {  	_ = 	snop  }
0x5: {  	_ = 	snop  }
0x6: {  	_ = 	snop  }
0x7: {  	_ = 	snop  }
__scs_overlays_trampoline_lowered:
0x8: {  	[smem:$0x3FA0] =	sst s0  }
0x9: {  	[smem:$0x3FA1] =	sst s1  }
0xa: {  	[smem:$0x3FA2] =	sst s2  }
0xb: {  	[smem:$0x3FA3] =	sst s3  }
0xc: {  	[smem:$0x3FA4] =	sst s4  }
0xd: {  	[smem:$0x3FA5] =	sst s5  }
0xe: {  	[smem:$0x3FA6] =	sst s6  }
0xf: {  	[smem:$0x3FA7] =	sst s7  }
0x10: {  	[smem:$0x3FA8] =	sst s8  }
0x11: {  	[smem:$0x3FA9] =	sst s9;
	s0 =	simm.s32 @!p0 $0x0  }
0x12: {  	s1 =	sld [smem:$0x3F8F];
	s0 =	simm.s32 @p0 $0x1  }
0x13: {  	[smem:$0x3FAA] =	sst s0;
	s0 =	simm.s32 @!p1 $0x0  }
0x14: {  	s2 =	sld [smem:$0x3F8E];
	s0 =	simm.s32 @p1 $0x1  }
0x15: {  	[smem:$0x3FAB] =	sst s0;
	s0 =	simm.s32 @!p2 $0x0  }
0x16: {  	s3 =	sld [smem:$0x3FDB];
	s0 =	simm.s32 @p2 $0x1  }
0x17: {  	s4 =	simm.s32 $0x1BF5;
	[smem:$0x3FAD] =	sst s0  }
0x18: {  	s0 =	sld [smem:$0x3F90];
	_ =	swait.ge [sflag:s4], $0x0  }
0x19: {  	s7 =	sld [smem:$0x3F91]  }
0x1a: {  	s8 =	sadd.s32 $0xFFFFE003, lr  }
0x1b: {  	s9 =	sadd.s32 $0xFFFFFEF7, lr;
	s5 =	simm.s32 $0xFFFFFFFF;
	p2 =	slt.u32 s8, $0xFFFFF086  }
0x1c: {  	p1 =	slt.u32 s9, $0xF7A;
	s5 =	simm.s32 @!p2 $0x0  }
0x1d: {  	s5 =	simm.s32 @p1 $0x1;
	p0 =	seq.s32 s7, s2  }
0x1e: {  	s7 =	smul.u32 @!p0 $0xF7A, s2;
	p2 =	seq.s32 @!p0 s5, $0x0  }
0x1f: {  	s9 =	smul.u32 $0xF7A, s1;
	s8 =	simm.s32 @!p0 $0x1BF5;
	p2 =	por !p2, p0  }
0x20: {  	[sflag:s8] =	ssyncset.s32 @!p0 $0xFFFFF086;
	s6 =	sadd.s32 @!p0 s3, s7;
	s7 =	simm.s32 @!p0 $0x108  }
0x21: {  	s3 =	sadd.s32 s3, s9;
	s6 =	sadd.s32 @!p0 $0x88, s6;
	s7 =	simm.s32 @p2 $0x1082  }
0x22: {  	[simem:s7], [sflag:s8] =	dma.local @!p0 [hbm:s6], $0xF7A  }
0x23: {  	s9 =	sor.u32 $0xD0000000, s2;
	s6 =	simm.s32 $0x108;
	_ =	swait.ge @!p0 [sflag:s8], $0x0  }
0x24: {  	s3 =	sadd.s32 $0x88, s3;
	s6 =	simm.s32 @!p1 $0x1082;
	[sflag:s4] =	ssyncset.s32 $0xFFFFF086  }
0x25: {  	[simem:s6], [sflag:s4] =	dma.local [hbm:s3], $0xF7A  }
0x26: {  	[smem:$0x3F91] =	sst s1;
	(tag) =	ssettag s2;
	_ =	strace s9  }
0x27: {  	s1 =	sld [smem:$0x3FA1]  }
0x28: {  	s2 =	sld [smem:$0x3FA2]  }
0x29: {  	s4 =	sld [smem:$0x3FA4]  }
0x2a: {  	p0 =	seq.s32 s5, $0x0;
	s5 =	sld [smem:$0x3FA5]  }
0x2b: {  	s6 =	sld [smem:$0x3FA6]  }
0x2c: {  	s7 =	sld [smem:$0x3FA7]  }
0x2d: {  	s3 =	simm.s32 $0x108;
	s8 =	sld [smem:$0x3FA8]  }
0x2e: {  	s3 =	simm.s32 @!p0 $0x1082;
	s9 =	sld [smem:$0x3FA9]  }
0x2f: {  	lr =	sadd.s32 s0, s3;
	s0 =	sld [smem:$0x3FA0]  }
0x30: {  	s3 =	sld [smem:$0x3FA3]  }
0x31: {  	[smem:$0x3FAC] =	sst s10  }
0x32: {  	s10 =	sld [smem:$0x3FAA];
	_ =	sdelay $0x3  }
0x33: {  	p0 =	seq.s32 s10, $0x1;
	s10 =	sld [smem:$0x3FAC];
	_ =	sdelay $0x3  }
0x34: {  	[smem:$0x3FAC] =	sst s10  }
0x35: {  	s10 =	sld [smem:$0x3FAB];
	_ =	sdelay $0x3  }
0x36: {  	p1 =	seq.s32 s10, $0x1;
	s10 =	sld [smem:$0x3FAC];
	_ =	sdelay $0x3  }
0x37: {  	[smem:$0x3FAC] =	sst s10  }
0x38: {  	s10 =	sld [smem:$0x3FAD]  }
0x39: {  	_ = 	snop;
	(pc) =	sbr.ind lr, $3  }
0x3a: {  	_ = 	snop  }
0x3b: {  	_ = 	snop  }
0x3c: {  	p2 =	seq.s32 s10, $0x1;
	s10 =	sld [smem:$0x3FAC]  }
0x3d: {  	_ =	shalt  }
0x3e: {  	_ =	shalt  }
0x3f: {  	_ =	shalt  }
0x40: {  	_ =	shalt  }
0x41: {  	_ =	shalt  }
0x42: {  	_ =	shalt  }
0x43: {  	_ =	shalt  }
0x44: {  	_ =	shalt  }
0x45: {  	_ =	shalt  }
0x46: {  	_ =	shalt  }
0x47: {  	_ =	shalt  }
0x48: {  	_ =	shalt  }
0x49: {  	_ =	shalt  }
0x4a: {  	_ =	shalt  }
0x4b: {  	_ =	shalt  }
0x4c: {  	_ =	shalt  }
0x4d: {  	_ =	shalt  }
0x4e: {  	_ =	shalt  }
0x4f: {  	_ =	shalt  }
0x50: {  	_ =	shalt  }
0x51: {  	_ =	shalt  }
0x52: {  	_ =	shalt  }
0x53: {  	_ =	shalt  }
0x54: {  	_ =	shalt  }
0x55: {  	_ =	shalt  }
0x56: {  	_ =	shalt  }
0x57: {  	_ =	shalt  }
0x58: {  	_ =	shalt  }
0x59: {  	_ =	shalt  }
0x5a: {  	_ =	shalt  }
0x5b: {  	_ =	shalt  }
0x5c: {  	_ =	shalt  }
0x5d: {  	_ =	shalt  }
0x5e: {  	_ =	shalt  }
0x5f: {  	_ =	shalt  }
0x60: {  	_ =	shalt  }
0x61: {  	_ =	shalt  }
0x62: {  	_ =	shalt  }
0x63: {  	_ =	shalt  }
0x64: {  	_ =	shalt  }
0x65: {  	_ =	shalt  }
0x66: {  	_ =	shalt  }
0x67: {  	_ =	shalt  }
0x68: {  	_ =	shalt  }
0x69: {  	_ =	shalt  }
0x6a: {  	_ =	shalt  }
0x6b: {  	_ =	shalt  }
0x6c: {  	_ =	shalt  }
0x6d: {  	_ =	shalt  }
0x6e: {  	_ =	shalt  }
0x6f: {  	_ =	shalt  }
0x70: {  	_ =	shalt  }
0x71: {  	_ =	shalt  }
0x72: {  	_ =	shalt  }
0x73: {  	_ =	shalt  }
0x74: {  	_ =	shalt  }
0x75: {  	_ =	shalt  }
0x76: {  	_ =	shalt  }
0x77: {  	_ =	shalt  }
0x78: {  	_ =	shalt  }
0x79: {  	_ =	shalt  }
0x7a: {  	_ =	shalt  }
0x7b: {  	_ =	shalt  }
0x7c: {  	_ =	shalt  }
0x7d: {  	_ =	shalt  }
0x7e: {  	_ =	shalt  }
0x7f: {  	_ =	shalt  }
0x80: {  	_ =	shalt  }
0x81: {  	_ =	shalt  }
0x82: {  	_ =	shalt  }
0x83: {  	_ =	shalt  }
0x84: {  	_ =	shalt  }
0x85: {  	_ =	shalt  }
0x86: {  	_ =	shalt  }
0x87: {  	_ =	shalt  }
.Lfunc_end0:
.L_simem_size_0:
called_computation_lowered:
.L_overlay_start_0:
0x88: {  	s2 =	sld [smem:$0x3FD9]  }
0x89: {  	s3 =	sld [smem:$0x3FFE];
	_ =	sdelay $0x1  }
0x8a: {  	s1 =	srdreg.scid  }
0x8b: {  	s0 =	sand.u32 $0x1, s1  }
0x8c: {  	s16 =	sshll.u32 s0, $0xA;
	s2 =	sadd.s32 s3, s2  }
0x8d: {  	s2 =	sadd.s32 s2, s16  }
0x8e: {  	[smem:$0x3FB8] =	sst s2  }
0x8f: {  	_ = 	snop  }
0x90: {  	(tm) =	ssettm $0x1  }
0x91: {  	s17 =	sld [smem:$0x3FFB];
	_ =	sdelay $0x3  }
0x92: {  	_ =	strace s17  }
0x93: {  	s2 =	sld [smem:$0x3FFC];
	_ =	sdelay $0x3  }
0x94: {  	_ =	strace s2  }
0x95: {  	s2 =	sld [smem:$0x3FFD];
	_ =	sdelay $0x3  }
0x96: {  	_ =	strace s2  }
0x97: {  	_ =	strace $0x8FFFFFFF  }
0x98: {  	s18 =	sld [smem:$0x3FDB];
	_ =	sdelay $0x1  }
0x99: {  	s19 =	simm.s32 $_scs_section_size  }
0x9a: {  	s4 =	simm.s32 $_size__tile_overlayer_lowered;
	s5 =	simm.s32 $_tile_overlayer_lowered  }
0x9b: {  	s22 =	simm.s32 $0x1BFF;
	s21 =	sshll.u32 s5, $0x1;
	s2 =	sadd.s32 s19, s18  }
0x9c: {  	s6 =	simm.s32 $0x0;
	s20 =	sshll.u32 s4, $0x1;
	s4 =	sadd.s32 s21, s2  }
0x9d: {  	[timem:s6], [sflag:s22] =	dma.local [hbm:s4], s20  }
0x9e: {  	_ =	swait.ge [sflag:s22], s20  }
0x9f: {  	s3 =	ssub.s32 $0x0, s20;
	[sflag:s22] =	ssyncset.done $0x0  }
0xa0: {  	[sflag:s22] =	ssyncadd.s32 s3;
	_ =	sdelay $0x1  }
0xa1: {  	s23 =	simm.s32 $0x1B8B  }
0xa2: {  	_ =	swait.ge [sflag:s23], $0x1  }
0xa3: {  	[sflag:s23] =	ssyncset.done $0x0  }
0xa4: {  	s25 =	simm.s32 $0x1B8E;
	s24 =	sld [smem:$0x3FFE];
	[sflag:s23] =	ssyncadd.s32 $0xFFFFFFFF  }
0xa5: {  	s26 =	simm.s32 $execute0_lowered;
	[smem:$0x3FD2] =	sst s25  }
0xa6: {  	s4 =	sshll.u32 s26, $0x1;
	_ =	strace $0x80000046;
	[dreg:$0x1] =	wrdreg $0xFFFFFFFF  }
0xa7: {  	s28 =	simm.s32 $_size_execute0_lowered;
	s2 =	sadd.s32 s2, s4;
	[dreg:$0x0] =	wrdreg $0x0  }
0xa8: {  	s4 =	sshll.u32 s28, $0x1;
	[dreg:$0x2] =	wrdreg s2  }
0xa9: {  	[dreg:$0x3] =	wrdreg s4  }
0xaa: {  	[dreg:$0x4] =	wrdreg $0xC0  }
0xab: {  	_ =	task [dreg:s6], $0x5FFFF  }
0xac: {  	[dreg:$0x1] =	wrdreg $0xFFFFFFFF  }
0xad: {  	[dreg:$0x0] =	wrdreg $0x60  }
0xae: {  	[dreg:$0x2] =	wrdreg s24  }
0xaf: {  	[dreg:$0x3] =	wrdreg $0x150000  }
0xb0: {  	[dreg:$0x4] =	wrdreg $0x9  }
0xb1: {  	_ =	task.clear_ibuf [dreg:s6], $0x5FFFF;
	_ =	strace $0x90000046  }
0xb2: {  	s29 =	simm.s32 $0x9;
	_ =	strace $0x80000048  }
0xb3: {  	_ =	swait.ge [sflag:s29], $0x1  }
0xb4: {  	[sflag:s29] =	ssyncadd.s32 $0xFFFFFFFF  }
0xb5: {  	_ =	strace $0x90000048  }
0xb6: {  	_ =	sfence  }
0xb7: {  	s30 =	sld [smem:$0x0];
	_ =	sdelay $0x2  }
0xb8: {  	s31 =	sshll.u32 s1, $0xD;
	s1 =	sshrl.u32 s1, $0x2  }
0xb9: {  	s3 =	sand.u32 $0x4000, s31;
	s1 =	sadd.s32 s1, s30  }
0xba: {  	s0 =	sor.u32 s3, s0;
	s1 =	sshll.u32 s1, $0x11  }
0xbb: {  	s0 =	sor.u32 s1, s0  }
0xbc: {  	s0 =	sadd.s32 $0x8F2B, s0  }
0xbd: {  	[sflag:s0] =	ssyncadd.remote.s32 $0x1  }
0xbe: {  	_ =	sfence.sel $0xFFFF  }
0xbf: {  	[dreg:$0x0] =	wrdreg $0xFFFFFFFF;
	(pc) =	sbr.abs _section_cstart, $3  }
0xc0: {  	[dreg:$0x1] =	wrdreg $0xFFFFFFFF  }
0xc1: {  	_ =	task.clear_ibuf [dreg:s6], $0x2FFFF;
	_ =	strace $0x9FFFFFFF  }
0xc2: {  	(tm) =	ssettm $0x7FFFFFFF  }
0xc3: {  	_ =	shalt  }
tec
execute0_lowered:
.L_overlay_start_1:
0x0: {  	(tag) =	ssettag $0x1  }
0x1: {  	s6 =	rddreg [dreg:$0x0]  }
0x2: {  	s0 =	srdreg.scid;
	s1 =	rddreg [dreg:$0x1]  }
0x3: {  	s2 =	stileid.u32;
	s3 =	simm.s32 $0x0;
	s15 =	simm.s32 $0x5  }
0x4: {  	s16 =	simm.s32 $0x8000;
	s17 =	simm.s32 $0x50;
	s18 =	simm.s32 $0x80  }
0x5: {  	s19 =	simm.s32 $0x12800;
	s20 =	simm.s32 $0x1;
	s21 =	simm.s32 $0x3  }
0x6: {  	s22 =	simm.s32 $0x2;
	s24 =	simm.s32 $0xFC00;
	s25 =	simm.s32 $0xFC80  }
0x7: {  	s12 =	sand.u32 $0x1, s0;
	s0 =	rddreg [dreg:$0x2];
	s7 =	smul.u32 $0xA000, s2  }
0x8: {  	[smem:$0x7FF] =	sst s3;
	s8 =	sshll.u32 s2, $0xC;
	s9 =	smul.u32 $0x28000, s2  }
0x9: {  	s4 =	sadd.s32 $0x23600, s6;
	p0 =	sne.s32 s2, $0x0;
	s5 =	smul.u32 $0xA0000, s12  }
0xa: {  	_ =	strace $0x80000047;
	s11 =	sadd.s32 s8, s6;
	s29 =	ssub.s32 $0x2, s12  }
0xb: {  	s23 =	smul.u32 $0x1400, s12;
	s30 =	sshrl.u32 s9, $0x2;
	s10 =	sshrl.u32 s29, $0x1  }
0xc: {  	s9 =	sadd.s32 $0xA0000, s1;
	s5 =	sadd.s32 s7, s5;
	s14 =	ssub.s32 s29, s10  }
0xd: {  	s10 =	sadd.s32 $0x13600, s11;
	s11 =	sadd.s32 $0x3600, s11;
	s31 =	sshrl.u32 s5, $0x3  }
0xe: {  	v0 =	vmov s23;
	s23 =	simm.s32 $0x4;
	s5 =	sadd.s32 s30, s1;
	s13 =	sadd.s32 s31, s6  }
0xf: {  	s6 =	sadd.s32 $0x2800, s5;
	s7 =	sadd.s32 $0x5000, s5;
	s8 =	sadd.s32 $0x7800, s5  }
0x10: {  	v1 =	vimm.f32 $0.0e+00;
	s12 =	sadd.s32 $0x4A800, s13;
	s13 =	smax.u32 s14, $0x1;
	s14 =	simm.s32 $0x10000  }
.LBB2_1:
0x11: {  	s26 =	simm.s32 $0x0;
	s28 =	simm.s32 $0x200  }
.LBB2_2:
0x12: {  	p1 =	sne.s32 s28, $0x9E00;
	[tilespmem:s26+$0x10070] =	vst v1  }
0x13: {  	[tilespmem:s26+$0x10000] =	vst v1  }
0x14: {  	[tilespmem:s26+$0x10010] =	vst v1  }
.Ltmp0:
0x15: {  	[tilespmem:s26+$0x10020] =	vst v1;
	(pc) =	sbr.rel @p1 .LBB2_2-.Ltmp0, $4  }
0x16: {  	[tilespmem:s26+$0x10030] =	vst v1  }
0x17: {  	[tilespmem:s26+$0x10040] =	vst v1  }
0x18: {  	[tilespmem:s26+$0x10050] =	vst v1  }
0x19: {  	[tilespmem:s26+$0x10060] =	vst v1;
	s26 =	sshra.s32 s28, $0x2;
	s28 =	sadd.s32 $0x200, s28  }
0x1a: {  	[tilespmem:s26+$0x10070] =	vst v1  }
0x1b: {  	[tilespmem:s26+$0x10000] =	vst v1  }
0x1c: {  	[tilespmem:s26+$0x10010] =	vst v1  }
0x1d: {  	[tilespmem:s26+$0x10020] =	vst v1  }
0x1e: {  	[tilespmem:s26+$0x10030] =	vst v1  }
0x1f: {  	[tilespmem:s26+$0x10040] =	vst v1  }
0x20: {  	[tilespmem:s26+$0x10050] =	vst v1  }
0x21: {  	[tilespmem:s26+$0x10060] =	vst v1  }
0x22: {  	[spmem:s5] =	stream.linear.scatter [tilespmem:s14], [sflag:$0x5], $0x2800, $0x38;
	[tilespmem:$0x1F200] =	vst v63  }
0x23: {  	_ =	swait.ge [sflag:s15], $0x2800  }
0x24: {  	[sflag:s15] =	ssyncset.done $0x0  }
0x25: {  	[sflag:s15] =	ssyncadd.s32 $0xFFFFD800  }
0x26: {  	[spmem:s6] =	stream.linear.scatter [tilespmem:s14], [sflag:$0x5], $0x2800, $0x38;
	[tilespmem:$0x1F200] =	vst v63  }
0x27: {  	_ =	swait.ge [sflag:s15], $0x2800  }
0x28: {  	[sflag:s15] =	ssyncset.done $0x0  }
0x29: {  	[sflag:s15] =	ssyncadd.s32 $0xFFFFD800  }
0x2a: {  	[spmem:s7] =	stream.linear.scatter [tilespmem:s14], [sflag:$0x5], $0x2800, $0x38;
	[tilespmem:$0x1F200] =	vst v63  }
0x2b: {  	_ =	swait.ge [sflag:s15], $0x2800  }
0x2c: {  	[sflag:s15] =	ssyncset.done $0x0  }
0x2d: {  	[sflag:s15] =	ssyncadd.s32 $0xFFFFD800  }
0x2e: {  	[spmem:s8] =	stream.linear.scatter [tilespmem:s14], [sflag:$0x5], $0x2800, $0x38;
	[tilespmem:$0x1F200] =	vst v63  }
0x2f: {  	_ =	swait.ge [sflag:s15], $0x2800  }
0x30: {  	[sflag:s15] =	ssyncset.done $0x0  }
0x31: {  	s26 =	simm.s32 @!p0 $0x10000;
	[sflag:s15] =	ssyncadd.s32 $0xFFFFD800  }
0x32: {  	[spmem:s9] =	stream.linear.scatter @!p0 [tilespmem:s26], [sflag:$0x5], $0x2000, $0x38;
	[tilespmem:$0x1F200] =	vst v63  }
0x33: {  	s26 =	simm.s32 @!p0 $0x5  }
0x34: {  	_ =	swait.ge @!p0 [sflag:s26], $0x2000  }
0x35: {  	[sflag:s26] =	ssyncset.done @!p0 $0x0  }
0x36: {  	s31 =	simm.s32 $0x0;
	[sflag:s26] =	ssyncadd.s32 @!p0 $0xFFFFE000  }
0x37: {  	[tilespmem:s31], [sflag:$0x5] =	stream.linear.gather [hbm4b:s10+s31], $0x7D00, $0x38;
	[tilespmem:$0x1F200] =	vst v63  }
0x38: {  	_ =	swait.ge [sflag:s15], $0x7D00  }
0x39: {  	[sflag:s15] =	ssyncset.done $0x0  }
0x3a: {  	[sflag:s15] =	ssyncadd.s32 $0xFFFF8300  }
0x3b: {  	[tilespmem:s16], [sflag:$0x5] =	stream.linear.gather [hbm4b:s11+s31], $0x7D00, $0x38;
	[tilespmem:$0x1F200] =	vst v63  }
0x3c: {  	_ =	swait.ge [sflag:s15], $0x7D00  }
0x3d: {  	[sflag:s15] =	ssyncset.done $0x0  }
0x3e: {  	s26 =	simm.s32 $0x0;
	[sflag:s15] =	ssyncadd.s32 $0xFFFF8300  }
0x3f: {  	v4 =	vld [tilespmem:s26+$0x8000]  }
0x40: {  	v5 =	vld [tilespmem:s26+$0x8010]  }
0x41: {  	v3 =	vld [tilespmem:s26+$0x8020]  }
0x42: {  	s28 =	simm.s32 $0x200;
	v2 =	vld [tilespmem:s26+$0x8030]  }
.LBB2_4:
0x43: {  	p1 =	sne.s32 s28, $0x1F200;
	v6 =	vld [tilespmem:s26+$0x8040]  }
0x44: {  	v4 =	vsub.s32 v4, v0  }
0x45: {  	v4 =	vmin.u32 v4, $0x1400;
	v5 =	vsub.s32 v5, v0  }
.Ltmp1:
0x46: {  	s29 =	sshra.s32 s28, $0x2;
	[tilespmem:s26+$0x8000] =	vst v4;
	v5 =	vmin.u32 v5, $0x1400;
	v3 =	vsub.s32 v3, v0;
	(pc) =	sbr.rel @p1 .LBB2_4-.Ltmp1, $4  }
0x47: {  	v4 =	vld [tilespmem:s29+$0x8000];
	[tilespmem:s26+$0x8010] =	vst v5;
	v3 =	vmin.u32 v3, $0x1400;
	v2 =	vsub.s32 v2, v0  }
0x48: {  	v5 =	vld [tilespmem:s29+$0x8010];
	[tilespmem:s26+$0x8020] =	vst v3;
	v2 =	vmin.u32 v2, $0x1400;
	v6 =	vsub.s32 v6, v0  }
0x49: {  	v3 =	vld [tilespmem:s29+$0x8020];
	[tilespmem:s26+$0x8030] =	vst v2;
	v6 =	vmin.u32 v6, $0x1400  }
0x4a: {  	s28 =	sadd.s32 $0x200, s28;
	v2 =	vld [tilespmem:s29+$0x8030];
	[tilespmem:s26+$0x8040] =	vst v6;
	s26 =	smov.u32 s29  }
0x4b: {  	v6 =	vld [tilespmem:s26+$0x8040]  }
0x4c: {  	v4 =	vsub.s32 v4, v0  }
0x4d: {  	v4 =	vmin.u32 v4, $0x1400;
	v5 =	vsub.s32 v5, v0  }
0x4e: {  	[tilespmem:s26+$0x8000] =	vst v4;
	v63 =	vmin.u32 v5, $0x1400;
	v3 =	vsub.s32 v3, v0  }
0x4f: {  	[tilespmem:s26+$0x8010] =	vst v63;
	v3 =	vmin.u32 v3, $0x1400;
	v2 =	vsub.s32 v2, v0  }
0x50: {  	[tilespmem:s26+$0x8020] =	vst v3;
	v2 =	vmin.u32 v2, $0x1400;
	v3 =	vsub.s32 v6, v0  }
0x51: {  	[tilespmem:s26+$0x8030] =	vst v2;
	v2 =	vmin.u32 v3, $0x1400  }
0x52: {  	[tilespmem:s26+$0x8040] =	vst v2  }
0x53: {  	s31 =	simm.s32 $0x0;
	[bflag:$0x0] =	sbarrier.arrive $0xFFFF  }
0x54: {  	[tilespmem:s14], [sflag:$0x1] =	stream.indirect.gather [hbm4b:s4+s17], $0x80, s31, s17, $0xb8;
	[tilespmem:$0x1F200] =	vst v63  }
0x55: {  	_ = 	snop  }
0x56: {  	[tilespmem:s19], [sflag:$0x2] =	stream.indirect.gather [hbm4b:s4+s17], $0x80, s18, s17, $0xb8;
	[tilespmem:$0x1F200] =	vst v63  }
0x57: {  	_ =	swait.ge [sflag:s20], $0x2800  }
0x58: {  	[sflag:s20] =	ssyncset.done $0x0  }
0x59: {  	s29 =	simm.s32 $0x8000;
	[sflag:s20] =	ssyncadd.s32 $0xFFFFD800  }
0x5a: {  	[spmem:s1] =	stream.indirect.scatter.add.f32 [tilespmem:s14], [sflag:$0x3], $0x80, s29, s17, $0xb8;
	[tilespmem:$0x1F200] =	vst v63  }
0x5b: {  	_ =	swait.ge [sflag:s21], $0x2800  }
0x5c: {  	[sflag:s21] =	ssyncset.done $0x0  }
0x5d: {  	s30 =	simm.s32 $0x100;
	[sflag:s21] =	ssyncadd.s32 $0xFFFFD800  }
0x5e: {  	[tilespmem:s14], [sflag:$0x1] =	stream.indirect.gather [hbm4b:s4+s17], $0x80, s30, s17, $0xb8;
	[tilespmem:$0x1F200] =	vst v63  }
0x5f: {  	_ =	swait.ge [sflag:s22], $0x2800  }
0x60: {  	[sflag:s22] =	ssyncset.done $0x0  }
0x61: {  	s31 =	simm.s32 $0x8080;
	[sflag:s22] =	ssyncadd.s32 $0xFFFFD800  }
0x62: {  	[spmem:s1] =	stream.indirect.scatter.add.f32 [tilespmem:s19], [sflag:$0x4], $0x80, s31, s17, $0xb8;
	[tilespmem:$0x1F200] =	vst v63  }
0x63: {  	_ =	swait.ge [sflag:s23], $0x2800  }
0x64: {  	[sflag:s23] =	ssyncset.done $0x0  }
0x65: {  	s28 =	simm.s32 $0x180;
	s26 =	simm.s32 $0x400;
	[sflag:s23] =	ssyncadd.s32 $0xFFFFD800  }
.LBB2_6:
0x66: {  	[tilespmem:s19], [sflag:$0x2] =	stream.indirect.gather [hbm4b:s4+s17], $0x80, s28, s17, $0xb8;
	[tilespmem:$0x1F200] =	vst v63  }
0x67: {  	s28 =	smov.u32 s26  }
0x68: {  	p1 =	sne.s32 s26, $0x1EC00;
	s26 =	sadd.s32 $0x400, s26;
	_ =	swait.ge [sflag:s20], $0x2800  }
0x69: {  	s28 =	sshra.s32 s28, $0x2;
	[sflag:s20] =	ssyncset.done $0x0  }
0x6a: {  	s29 =	sadd.s32 $0x8000, s28;
	[sflag:s20] =	ssyncadd.s32 $0xFFFFD800  }
0x6b: {  	[spmem:s1] =	stream.indirect.scatter.add.f32 [tilespmem:s14], [sflag:$0x3], $0x80, s29, s17, $0xb8;
	[tilespmem:$0x1F200] =	vst v63  }
0x6c: {  	_ =	swait.ge [sflag:s21], $0x2800  }
0x6d: {  	[sflag:s21] =	ssyncset.done $0x0  }
0x6e: {  	s29 =	sadd.s32 $0x100, s28;
	[sflag:s21] =	ssyncadd.s32 $0xFFFFD800  }
0x6f: {  	[tilespmem:s14], [sflag:$0x1] =	stream.indirect.gather [hbm4b:s4+s17], $0x80, s29, s17, $0xb8;
	[tilespmem:$0x1F200] =	vst v63  }
0x70: {  	_ =	swait.ge [sflag:s22], $0x2800  }
0x71: {  	[sflag:s22] =	ssyncset.done $0x0  }
.Ltmp2:
0x72: {  	s29 =	sadd.s32 $0x8080, s28;
	[sflag:s22] =	ssyncadd.s32 $0xFFFFD800;
	(pc) =	sbr.rel @p1 .LBB2_6-.Ltmp2, $4  }
0x73: {  	[spmem:s1] =	stream.indirect.scatter.add.f32 [tilespmem:s19], [sflag:$0x4], $0x80, s29, s17, $0xb8;
	[tilespmem:$0x1F200] =	vst v63  }
0x74: {  	_ =	swait.ge [sflag:s23], $0x2800  }
0x75: {  	[sflag:s23] =	ssyncset.done $0x0  }
0x76: {  	s28 =	sadd.s32 $0x180, s28;
	[sflag:s23] =	ssyncadd.s32 $0xFFFFD800  }
0x77: {  	[tilespmem:s19], [sflag:$0x2] =	stream.indirect.gather [hbm4b:s4+s17], $0x80, s28, s17, $0xb8;
	[tilespmem:$0x1F200] =	vst v63  }
0x78: {  	_ =	swait.ge [sflag:s20], $0x2800  }
0x79: {  	[sflag:s20] =	ssyncset.done $0x0  }
0x7a: {  	[sflag:s20] =	ssyncadd.s32 $0xFFFFD800  }
0x7b: {  	[spmem:s1] =	stream.indirect.scatter.add.f32 [tilespmem:s14], [sflag:$0x3], $0x80, s24, s17, $0xb8;
	[tilespmem:$0x1F200] =	vst v63  }
0x7c: {  	_ =	swait.ge [sflag:s22], $0x2800  }
0x7d: {  	[sflag:s22] =	ssyncset.done $0x0  }
0x7e: {  	[sflag:s22] =	ssyncadd.s32 $0xFFFFD800  }
0x7f: {  	[spmem:s1] =	stream.indirect.scatter.add.f32 [tilespmem:s19], [sflag:$0x4], $0x80, s25, s17, $0xb8;
	[tilespmem:$0x1F200] =	vst v63  }
0x80: {  	_ =	swait.ge [sflag:s21], $0x2800  }
0x81: {  	[sflag:s21] =	ssyncset.done $0x0  }
0x82: {  	[sflag:s21] =	ssyncadd.s32 $0xFFFFD800  }
0x83: {  	_ =	swait.ge [sflag:s23], $0x2800  }
0x84: {  	s26 =	sshll.u32 s2, $0x6;
	s3 =	sadd.s32 $0x1, s3;
	[sflag:s23] =	ssyncset.done $0x0  }
0x85: {  	s31 =	sshrl.u32 s5, $0x3;
	p1 =	sne.s32 s3, s13;
	[sflag:s23] =	ssyncadd.s32 $0xFFFFD800  }
.Ltmp3:
0x86: {  	s26 =	sor.u32 $0x1C05, s26;
	[bflag:$0x0] =	sbarrier.arrive $0xFFFF;
	(pc) =	sbr.rel @p1 .LBB2_1-.Ltmp3, $4  }
0x87: {  	[hbm:s12], [sflag:s26] =	dma.local [spmem:s31], $0x1400  }
0x88: {  	_ =	swait.ge [sflag:s15], $0x1400  }
0x89: {  	[sflag:s15] =	ssyncset.done $0x0  }
0x8a: {  	[sflag:s15] =	ssyncadd.s32 $0xFFFFEC00  }
0x8b: {  	_ =	sfence.sel $0x180000  }
0x8c: {  	[bflag:$0x0] =	sbarrier.arrive $0xFFFF  }
0x8d: {  	_ =	strace $0x90000047  }
0x8e: {  	s0 =	sadd.s32 @!p0 $0x100000, s0;
	[bflag:$0x2] =	sbarrier.arrive $0xFFFF  }
0x8f: {  	[sflag:s0] =	ssyncadd.tile.s32 @!p0 $0x1;
	_ =	shalt  }
.Lfunc_end2:
_tile_overlayer_lowered:
.L_overlay_start_2:
0x90: {  	(tag) =	ssettag $0x2  }
0x91: {  	s0 =	rddreg [dreg:$0x0];
	s2 =	stileid.u32  }
0x92: {  	s1 =	rddreg [dreg:$0x1];
	p0 =	sne.s32 s2, $0x0  }
0x93: {  	s3 =	rddreg [dreg:$0x2];
	[bflag:$0x3] =	sbarrier.arrive $0xFFFF;
	s2 =	simm.s32 @!p0 $0x1C05  }
0x94: {  	[timem:s3], [sflag:s2] =	dma.local @!p0 [hbm:s0], s1  }
0x95: {  	s0 =	simm.s32 @!p0 $0x5  }
0x96: {  	_ =	swait.ge @!p0 [sflag:s0], s1  }
0x97: {  	s1 =	ssub.s32 @!p0 $0x0, s1;
	[sflag:s0] =	ssyncset.done @!p0 $0x0  }
0x98: {  	[sflag:s0] =	ssyncadd.s32 @!p0 s1  }
0x99: {  	[bflag:$0x3] =	sbarrier.arrive $0xFFFF  }
0x9a: {  	_ =	shalt  }

</sc_bundles>
